<compile_context>
chip_gen: v7x
topology: tpu7x:2x2x1
jax: 0.10.2.dev20260603
libtpu: 0.0.44.dev20260713+nightly
codegen_flags: <defaults>
</compile_context>

<pallas_src>
import functools

import jax
import jax.numpy as jnp
from jax import lax
from jax.experimental import pallas as pl
from jax.experimental.pallas import tpu as pltpu
from jax.experimental.pallas import tpu_sc as plsc

BIN_SIZE = 128
DIST_MULT = 0.1
CLIP_LOW = 0.0
_C = 512


def _fiota(shape, dim):
    return lax.broadcasted_iota(jnp.int32, shape, dim).astype(jnp.float32)


def _bin_body(x_ref, cb_ref, msk_ref, key_ref, lrank_ref, hist_ref):
    x = x_ref[0]
    cb = cb_ref[...]
    mul = lax.dot_general(x, cb, (((1,), (0,)), ((), ())),
                          preferred_element_type=jnp.float32)
    cmul = jnp.concatenate([mul, -mul], axis=1)
    n2 = cmul.shape[1]
    m = jnp.max(cmul, axis=1, keepdims=True)
    iota = _fiota( cmul.shape, 1)
    a = jnp.min(jnp.where(cmul == m, iota, float(n2)), axis=1, keepdims=True)
    mskv = msk_ref[0]
    key = a + (1.0 - mskv) * float(n2 - 1)
    lanes = _fiota( (key.shape[0], 128), 1)
    onehot = (lanes == key).astype(jnp.float32)
    hist_ref[0] = jnp.sum(onehot, axis=0, keepdims=True)
    c = key.shape[0]
    ri = _fiota( (c, c), 0)
    ci = _fiota( (c, c), 1)
    tril = (ci < ri).astype(jnp.float32)
    lp = lax.dot_general(tril, onehot, (((1,), (0,)), ((), ())),
                         preferred_element_type=jnp.float32)
    lrank_ref[0] = jnp.sum(lp * onehot, axis=1, keepdims=True)
    key_ref[0] = key


def _rank_body(key_ref, lrank_ref, hist_ref, rank_ref, *, n_per_batch):
    b = pl.program_id(0)
    c = pl.program_id(1)
    key = key_ref[0]
    lrank = lrank_ref[0]
    hist = hist_ref[0]
    nb = hist.shape[0]
    rows = _fiota( (nb, 128), 0)
    cf = lax.convert_element_type(c, jnp.float32)
    bp = jnp.sum(jnp.where(rows < cf, hist, 0.0), axis=0, keepdims=True)
    tot = jnp.sum(hist, axis=0, keepdims=True)
    n = key.shape[0]
    lanes = _fiota( (n, 128), 1)
    r1 = jnp.sum(jnp.where(lanes < key, jnp.broadcast_to(tot, (n, 128)), 0.0),
                 axis=1, keepdims=True)
    r2 = jnp.sum(jnp.where(lanes == key, jnp.broadcast_to(bp, (n, 128)), 0.0),
                 axis=1, keepdims=True)
    bf = lax.convert_element_type(b, jnp.float32)
    rank = r1 + r2 + lrank + bf * float(n_per_batch)
    rank_ref[0] = rank.astype(jnp.int32)


def _pair_body(pk_ref, mrow_ref, mcol_ref, dm_ref, *, dmsg):
    mrow = mrow_ref[...]
    mcol = mcol_ref[...]
    x = pk_ref[...] * mrow
    s = x * x
    gsz = x.shape[0]
    ones_d = jnp.ones((gsz, 1, dmsg), jnp.float32)
    na = lax.dot_general(s, ones_d, (((2,), (2,)), ((0,), (0,))),
                         preferred_element_type=jnp.float32)
    nb = lax.dot_general(ones_d, s, (((2,), (2,)), ((0,), (0,))),
                         preferred_element_type=jnp.float32)
    g = lax.dot_general(x, x, (((2,), (2,)), ((0,), (0,))),
                        preferred_element_type=jnp.float32)
    d2 = jnp.clip(na - 2.0 * g + nb, 1e-06, 1000000.0)
    dm = jnp.exp(-DIST_MULT * jnp.sqrt(d2))
    dm = jnp.clip(dm, CLIP_LOW, 1.0)
    dm_ref[...] = dm * mrow * mcol


def _sc_scatter(rank, xm, xn, w):
    m, dm = xm.shape
    dn = xn.shape[1]
    info = plsc.get_sparse_core_info()
    nw = info.num_cores * info.num_subcores
    rows_per_w = m // nw
    ch = 128
    nch = rows_per_w // ch
    mesh = plsc.VectorSubcoreMesh(core_axis_name="c", subcore_axis_name="s")

    buf_types = [pltpu.VMEM((ch,), jnp.int32),
                 pltpu.VMEM((ch, dm), jnp.float32),
                 pltpu.VMEM((ch, dn), jnp.float32),
                 pltpu.VMEM((ch,), jnp.int32)]

    @functools.partial(
        pl.kernel, mesh=mesh,
        out_type=(jax.ShapeDtypeStruct((m, dm), jnp.float32),
                  jax.ShapeDtypeStruct((m, dn), jnp.float32),
                  jax.ShapeDtypeStruct((m,), jnp.int32)),
        scratch_types=buf_types + buf_types
        + [pltpu.SemaphoreType.DMA, pltpu.SemaphoreType.DMA])
    def k(rank_hbm, xm_hbm, xn_hbm, w_hbm,
          xmo_hbm, xno_hbm, wo_hbm,
          idx0, xm0, xn0, w0, idx1, xm1, xn1, w1, ld_sem, sc_sem):
        wid = lax.axis_index("s") * info.num_cores + lax.axis_index("c")
        bufs = [(idx0, xm0, xn0, w0), (idx1, xm1, xn1, w1)]
        pend_load = [[], []]
        pend_scat = [[], []]

        def fire_loads(j, p):
            base = wid * rows_per_w + j * ch
            idx_v, xm_v, xn_v, w_v = bufs[p]
            pend_load[p] = [
                pltpu.async_copy(rank_hbm.at[pl.ds(base, ch)], idx_v, ld_sem),
                pltpu.async_copy(xm_hbm.at[pl.ds(base, ch)], xm_v, ld_sem),
                pltpu.async_copy(xn_hbm.at[pl.ds(base, ch)], xn_v, ld_sem),
                pltpu.async_copy(w_hbm.at[pl.ds(base, ch)], w_v, ld_sem),
            ]

        fire_loads(0, 0)
        for j in range(nch):
            p = j % 2
            if j + 1 < nch:
                for h in pend_scat[1 - p]:
                    h.wait()
                pend_scat[1 - p] = []
                fire_loads(j + 1, 1 - p)
            for h in pend_load[p]:
                h.wait()
            idx_v, xm_v, xn_v, w_v = bufs[p]
            pend_scat[p] = [
                pltpu.async_copy(xm_v, xmo_hbm.at[idx_v], sc_sem),
                pltpu.async_copy(xn_v, xno_hbm.at[idx_v], sc_sem),
                pltpu.async_copy(w_v, wo_hbm.at[idx_v], sc_sem),
            ]
        for p in range(2):
            for h in pend_scat[p]:
                h.wait()

    return k(rank, xm, xn, w)


def kernel(x_msg, x_node, msk, codebook):
    b, n, dmsg = x_msg.shape
    dn = x_node.shape[-1]
    n_bins = n // BIN_SIZE
    nbk = max(1, n_bins // 2)
    c = _C
    nblk = n // c

    cb = codebook[:, :nbk]
    mskf = msk.astype(jnp.float32).reshape(b * nblk, c, 1)

    f32 = jnp.float32
    key, lrank, hist = pl.pallas_call(
        _bin_body,
        grid=(b, nblk),
        in_specs=[
            pl.BlockSpec((1, c, dmsg), lambda i, j: (i, j, 0)),
            pl.BlockSpec((dmsg, nbk), lambda i, j: (0, 0)),
            pl.BlockSpec((1, c, 1), lambda i, j: (i * nblk + j, 0, 0)),
        ],
        out_specs=[
            pl.BlockSpec((1, c, 1), lambda i, j: (i * nblk + j, 0, 0)),
            pl.BlockSpec((1, c, 1), lambda i, j: (i * nblk + j, 0, 0)),
            pl.BlockSpec((1, 1, 128), lambda i, j: (i * nblk + j, 0, 0)),
        ],
        out_shape=[
            jax.ShapeDtypeStruct((b * nblk, c, 1), f32),
            jax.ShapeDtypeStruct((b * nblk, c, 1), f32),
            jax.ShapeDtypeStruct((b * nblk, 1, 128), f32),
        ],
    )(x_msg, cb, mskf)

    rank = pl.pallas_call(
        functools.partial(_rank_body, n_per_batch=n),
        grid=(b, nblk),
        in_specs=[
            pl.BlockSpec((1, c, 1), lambda i, j: (i * nblk + j, 0, 0)),
            pl.BlockSpec((1, c, 1), lambda i, j: (i * nblk + j, 0, 0)),
            pl.BlockSpec((1, nblk, 128), lambda i, j: (i, 0, 0)),
        ],
        out_specs=pl.BlockSpec((1, c, 1), lambda i, j: (i * nblk + j, 0, 0)),
        out_shape=jax.ShapeDtypeStruct((b * nblk, c, 1), jnp.int32),
    )(key, lrank, hist.reshape(b, nblk, 128))

    rank_flat = rank.reshape(b * n)
    vals = lax.rem(lax.iota(jnp.int32, b * n), jnp.int32(n))
    w_in = vals | (msk.astype(jnp.int32).reshape(b * n) << 16)
    xm_s, xfeat, w_out = _sc_scatter(
        rank_flat, x_msg.reshape(b * n, dmsg), x_node.reshape(b * n, dn),
        w_in)

    bins_flat = w_out & 0xFFFF
    mf = (w_out >> 16).astype(f32)

    grp = 8
    dm = pl.pallas_call(
        functools.partial(_pair_body, dmsg=dmsg),
        grid=(b * n_bins // grp,),
        in_specs=[
            pl.BlockSpec((grp, BIN_SIZE, dmsg), lambda i: (i, 0, 0)),
            pl.BlockSpec((grp, BIN_SIZE, 1), lambda i: (i, 0, 0)),
            pl.BlockSpec((grp, 1, BIN_SIZE), lambda i: (i, 0, 0)),
        ],
        out_specs=pl.BlockSpec((grp, BIN_SIZE, BIN_SIZE), lambda i: (i, 0, 0)),
        out_shape=jax.ShapeDtypeStruct((b * n_bins, BIN_SIZE, BIN_SIZE), f32),
    )(xm_s.reshape(b * n_bins, BIN_SIZE, dmsg),
      mf.reshape(b * n_bins, BIN_SIZE, 1),
      mf.reshape(b * n_bins, 1, BIN_SIZE))

    return (bins_flat.reshape(b, n_bins, BIN_SIZE),
            xfeat.reshape(b, n_bins, BIN_SIZE, dn),
            dm.reshape(b, n_bins, BIN_SIZE, BIN_SIZE, 1),
            (w_out >> 16).astype(bool).reshape(b, n_bins, BIN_SIZE, 1))

# --- scband reference (transcript-rebuilt; emitter-appended) ---
"""Pipeline reference for scband-message-building-layer-lsh-33724083208429 (READ-ONLY COPY).

The authoritative reference and input builder live on the scoring server;
editing this copy changes nothing except your own understanding.
"""

import jax, jax.numpy as jnp
import numpy as np

BIN_SIZE = 128
DIST_MULT = 0.1
CLIP_LOW = 0.0


def pairwise_l2_dist(A, B):
    na = jnp.sum(jnp.square(A), -1)[..., :, None]
    nb = jnp.sum(jnp.square(B), -1)[..., None, :]
    D = jnp.sqrt(jnp.clip(na - 2.0 * jnp.matmul(A, jnp.swapaxes(B, -1, -2)) + nb, 1e-06, 1000000.0))
    return D


def setup_inputs(seed: int = 0) -> dict:
    key = jax.random.key(seed)
    k1, k2, k3, k4 = jax.random.split(key, 4)
    x_msg = jax.random.normal(k1, (4, 8192, 128), dtype=jnp.float32)
    x_node = jax.random.normal(k2, (4, 8192, 256), dtype=jnp.float32)
    msk = jax.random.randint(k3, (4, 8192), 0, 2).astype(bool)
    # non-trainable LSH random rotations: (distance_dim, max_num_bins // 2)
    codebook = jax.random.normal(k4, (128, 100), dtype=jnp.float32)
    return {"x_msg": x_msg, "x_node": x_node, "msk": msk, "codebook": codebook}


def reference(x_msg, x_node, msk, codebook):
    B, N, _ = x_msg.shape
    bin_size = BIN_SIZE
    n_bins = N // bin_size
    # LSH projection
    mul = jnp.matmul(x_msg, codebook[:, :max(1, n_bins // 2)])
    cmul = jnp.concatenate([mul, -mul], axis=-1)
    # split_indices_to_bins_batch
    a = jnp.argmax(cmul, axis=-1)
    b = jnp.where(msk, 0, n_bins - 1)
    bin_idx = a + b
    bins_split = jnp.argsort(bin_idx, axis=-1).reshape(B, n_bins, bin_size)
    # split_msk_and_msg
    bins_split_2 = bins_split.reshape(B, n_bins * bin_size)
    x_msg_binned = jnp.take_along_axis(x_msg, bins_split_2[:, :, None], axis=1)
    x_msg_binned = x_msg_binned.reshape(B, n_bins, bin_size, x_msg.shape[-1])
    x_features_binned = jnp.take_along_axis(x_node, bins_split_2[:, :, None], axis=1)
    x_features_binned = x_features_binned.reshape(B, n_bins, bin_size, x_node.shape[-1])
    msk_f_binned = jnp.take_along_axis(msk, bins_split_2, axis=1).reshape(B, n_bins, bin_size, 1)
    # NodePairGaussianKernel
    x = x_msg_binned * msk_f_binned.astype(x_msg_binned.dtype)
    dm = pairwise_l2_dist(x, x)[..., None]
    dm = jnp.exp(-DIST_MULT * dm)
    dm = jnp.clip(dm, CLIP_LOW, 1.0)
    # mask rows and cols
    msk_sq = jnp.squeeze(msk_f_binned, axis=-1)
    msk_row = msk_sq.reshape(B, n_bins, bin_size, 1, 1).astype(dm.dtype)
    msk_col = msk_sq.reshape(B, n_bins, 1, bin_size, 1).astype(dm.dtype)
    dm = dm * msk_row
    dm = dm * msk_col
    return (bins_split, x_features_binned, dm, msk_f_binned)

if __name__ == "__main__":
    import jax
    _d = setup_inputs()
    print(jax.jit(kernel)(*tuple(_d.values())))

</pallas_src>

<mosaic_0001>
#map = affine_map<(d0, d1) -> (0)>
#map1 = affine_map<(d0, d1) -> (0, 0)>
module attributes {stable_mosaic.version = 14 : i64} {
  func.func @k(%arg0: i32, %arg1: i32, %arg2: memref<32768xi32, #tpu.memory_space<hbm>>, %arg3: memref<32768x128xf32, #tpu.memory_space<hbm>>, %arg4: memref<32768x256xf32, #tpu.memory_space<hbm>>, %arg5: memref<32768xi32, #tpu.memory_space<hbm>>, %arg6: memref<32768x128xf32, #tpu.memory_space<hbm>>, %arg7: memref<32768x256xf32, #tpu.memory_space<hbm>>, %arg8: memref<32768xi32, #tpu.memory_space<hbm>>, %arg9: memref<128xi32, #tpu.memory_space<vmem>>, %arg10: memref<128x128xf32, #tpu.memory_space<vmem>>, %arg11: memref<128x256xf32, #tpu.memory_space<vmem>>, %arg12: memref<128xi32, #tpu.memory_space<vmem>>, %arg13: memref<128xi32, #tpu.memory_space<vmem>>, %arg14: memref<128x128xf32, #tpu.memory_space<vmem>>, %arg15: memref<128x256xf32, #tpu.memory_space<vmem>>, %arg16: memref<128xi32, #tpu.memory_space<vmem>>, %arg17: memref<!tpu.dma_semaphore, #tpu.memory_space<semaphore_mem>>, %arg18: memref<!tpu.dma_semaphore, #tpu.memory_space<semaphore_mem>>) attributes {dimension_semantics = [#tpu.dimension_semantics<core_parallel>, #tpu.dimension_semantics<subcore_parallel>], iteration_bounds = array<i64: 2, 16>, scalar_prefetch = 0 : i64, scratch_operands = 10 : i64, tpu.core_type = #tpu.core_type<sc_vector_subcore>, window_params = [{transform_indices = #map}, {transform_indices = #map1}, {transform_indices = #map1}, {transform_indices = #map}, {transform_indices = #map1}, {transform_indices = #map1}, {transform_indices = #map}]} {
    %mul3A = arith.constant 2 : i32
    %mul3A_0 = arith.muli %arg1, %mul3A : i32
    %add3A = arith.addi %mul3A_0, %arg0 : i32
    %mul3A_1 = arith.constant 1024 : i32
    %mul3A_2 = arith.muli %add3A, %mul3A_1 : i32
    %add3A_3 = arith.constant 0 : i32
    %add3A_4 = arith.addi %mul3A_2, %add3A_3 : i32
    %dma_start3A = tpu.memref_slice %arg2[%add3A_4] : memref<32768xi32, #tpu.memory_space<hbm>> -> memref<128xi32, #tpu.memory_space<hbm>>
    %dma_start3A_5 = tpu.memref_slice %arg2[%add3A_4] : memref<32768xi32, #tpu.memory_space<hbm>> -> memref<128xi32, #tpu.memory_space<hbm>>
    tpu.enqueue_dma source(%dma_start3A_5 : memref<128xi32, #tpu.memory_space<hbm>>) target(%arg9 : memref<128xi32, #tpu.memory_space<vmem>>) target_semaphore(%arg17 : memref<!tpu.dma_semaphore, #tpu.memory_space<semaphore_mem>>)
    %dma_start3A_6 = arith.constant 0 : i32
    %dma_start3A_7 = tpu.memref_slice %arg3[%add3A_4, %dma_start3A_6] : memref<32768x128xf32, #tpu.memory_space<hbm>> -> memref<128x128xf32, #tpu.memory_space<hbm>>
    %dma_start3A_8 = arith.constant 0 : i32
    %dma_start3A_9 = tpu.memref_slice %arg3[%add3A_4, %dma_start3A_8] : memref<32768x128xf32, #tpu.memory_space<hbm>> -> memref<128x128xf32, #tpu.memory_space<hbm>>
    tpu.enqueue_dma source(%dma_start3A_9 : memref<128x128xf32, #tpu.memory_space<hbm>>) target(%arg10 : memref<128x128xf32, #tpu.memory_space<vmem>>) target_semaphore(%arg17 : memref<!tpu.dma_semaphore, #tpu.memory_space<semaphore_mem>>)
    %dma_start3A_10 = arith.constant 0 : i32
    %dma_start3A_11 = tpu.memref_slice %arg4[%add3A_4, %dma_start3A_10] : memref<32768x256xf32, #tpu.memory_space<hbm>> -> memref<128x256xf32, #tpu.memory_space<hbm>>
    %dma_start3A_12 = arith.constant 0 : i32
    %dma_start3A_13 = tpu.memref_slice %arg4[%add3A_4, %dma_start3A_12] : memref<32768x256xf32, #tpu.memory_space<hbm>> -> memref<128x256xf32, #tpu.memory_space<hbm>>
    tpu.enqueue_dma source(%dma_start3A_13 : memref<128x256xf32, #tpu.memory_space<hbm>>) target(%arg11 : memref<128x256xf32, #tpu.memory_space<vmem>>) target_semaphore(%arg17 : memref<!tpu.dma_semaphore, #tpu.memory_space<semaphore_mem>>)
    %dma_start3A_14 = tpu.memref_slice %arg5[%add3A_4] : memref<32768xi32, #tpu.memory_space<hbm>> -> memref<128xi32, #tpu.memory_space<hbm>>
    %dma_start3A_15 = tpu.memref_slice %arg5[%add3A_4] : memref<32768xi32, #tpu.memory_space<hbm>> -> memref<128xi32, #tpu.memory_space<hbm>>
    tpu.enqueue_dma source(%dma_start3A_15 : memref<128xi32, #tpu.memory_space<hbm>>) target(%arg12 : memref<128xi32, #tpu.memory_space<vmem>>) target_semaphore(%arg17 : memref<!tpu.dma_semaphore, #tpu.memory_space<semaphore_mem>>)
    %mul3A_16 = arith.constant 1024 : i32
    %mul3A_17 = arith.muli %add3A, %mul3A_16 : i32
    %add3A_18 = arith.constant 128 : i32
    %add3A_19 = arith.addi %mul3A_17, %add3A_18 : i32
    %dma_start3A_20 = tpu.memref_slice %arg2[%add3A_19] : memref<32768xi32, #tpu.memory_space<hbm>> -> memref<128xi32, #tpu.memory_space<hbm>>
    %dma_start3A_21 = tpu.memref_slice %arg2[%add3A_19] : memref<32768xi32, #tpu.memory_space<hbm>> -> memref<128xi32, #tpu.memory_space<hbm>>
    tpu.enqueue_dma source(%dma_start3A_21 : memref<128xi32, #tpu.memory_space<hbm>>) target(%arg13 : memref<128xi32, #tpu.memory_space<vmem>>) target_semaphore(%arg17 : memref<!tpu.dma_semaphore, #tpu.memory_space<semaphore_mem>>)
    %dma_start3A_22 = arith.constant 0 : i32
    %dma_start3A_23 = tpu.memref_slice %arg3[%add3A_19, %dma_start3A_22] : memref<32768x128xf32, #tpu.memory_space<hbm>> -> memref<128x128xf32, #tpu.memory_space<hbm>>
    %dma_start3A_24 = arith.constant 0 : i32
    %dma_start3A_25 = tpu.memref_slice %arg3[%add3A_19, %dma_start3A_24] : memref<32768x128xf32, #tpu.memory_space<hbm>> -> memref<128x128xf32, #tpu.memory_space<hbm>>
    tpu.enqueue_dma source(%dma_start3A_25 : memref<128x128xf32, #tpu.memory_space<hbm>>) target(%arg14 : memref<128x128xf32, #tpu.memory_space<vmem>>) target_semaphore(%arg17 : memref<!tpu.dma_semaphore, #tpu.memory_space<semaphore_mem>>)
    %dma_start3A_26 = arith.constant 0 : i32
    %dma_start3A_27 = tpu.memref_slice %arg4[%add3A_19, %dma_start3A_26] : memref<32768x256xf32, #tpu.memory_space<hbm>> -> memref<128x256xf32, #tpu.memory_space<hbm>>
    %dma_start3A_28 = arith.constant 0 : i32
    %dma_start3A_29 = tpu.memref_slice %arg4[%add3A_19, %dma_start3A_28] : memref<32768x256xf32, #tpu.memory_space<hbm>> -> memref<128x256xf32, #tpu.memory_space<hbm>>
    tpu.enqueue_dma source(%dma_start3A_29 : memref<128x256xf32, #tpu.memory_space<hbm>>) target(%arg15 : memref<128x256xf32, #tpu.memory_space<vmem>>) target_semaphore(%arg17 : memref<!tpu.dma_semaphore, #tpu.memory_space<semaphore_mem>>)
    %dma_start3A_30 = tpu.memref_slice %arg5[%add3A_19] : memref<32768xi32, #tpu.memory_space<hbm>> -> memref<128xi32, #tpu.memory_space<hbm>>
    %dma_start3A_31 = tpu.memref_slice %arg5[%add3A_19] : memref<32768xi32, #tpu.memory_space<hbm>> -> memref<128xi32, #tpu.memory_space<hbm>>
    tpu.enqueue_dma source(%dma_start3A_31 : memref<128xi32, #tpu.memory_space<hbm>>) target(%arg16 : memref<128xi32, #tpu.memory_space<vmem>>) target_semaphore(%arg17 : memref<!tpu.dma_semaphore, #tpu.memory_space<semaphore_mem>>)
    %dma_wait3A = tpu.memref_slice %arg2[%add3A_4] : memref<32768xi32, #tpu.memory_space<hbm>> -> memref<128xi32, #tpu.memory_space<hbm>>
    %dma_wait3A_32 = tpu.memref_slice %arg2[%add3A_4] : memref<32768xi32, #tpu.memory_space<hbm>> -> memref<128xi32, #tpu.memory_space<hbm>>
    tpu.wait_dma2 semaphore(%arg17 : memref<!tpu.dma_semaphore, #tpu.memory_space<semaphore_mem>>) src(%dma_wait3A_32 : memref<128xi32, #tpu.memory_space<hbm>>) dst(%arg9 : memref<128xi32, #tpu.memory_space<vmem>>)
    %dma_wait3A_33 = arith.constant 0 : i32
    %dma_wait3A_34 = tpu.memref_slice %arg3[%add3A_4, %dma_wait3A_33] : memref<32768x128xf32, #tpu.memory_space<hbm>> -> memref<128x128xf32, #tpu.memory_space<hbm>>
    %dma_wait3A_35 = arith.constant 0 : i32
    %dma_wait3A_36 = tpu.memref_slice %arg3[%add3A_4, %dma_wait3A_35] : memref<32768x128xf32, #tpu.memory_space<hbm>> -> memref<128x128xf32, #tpu.memory_space<hbm>>
    tpu.wait_dma2 semaphore(%arg17 : memref<!tpu.dma_semaphore, #tpu.memory_space<semaphore_mem>>) src(%dma_wait3A_36 : memref<128x128xf32, #tpu.memory_space<hbm>>) dst(%arg10 : memref<128x128xf32, #tpu.memory_space<vmem>>)
    %dma_wait3A_37 = arith.constant 0 : i32
    %dma_wait3A_38 = tpu.memref_slice %arg4[%add3A_4, %dma_wait3A_37] : memref<32768x256xf32, #tpu.memory_space<hbm>> -> memref<128x256xf32, #tpu.memory_space<hbm>>
    %dma_wait3A_39 = arith.constant 0 : i32
    %dma_wait3A_40 = tpu.memref_slice %arg4[%add3A_4, %dma_wait3A_39] : memref<32768x256xf32, #tpu.memory_space<hbm>> -> memref<128x256xf32, #tpu.memory_space<hbm>>
    tpu.wait_dma2 semaphore(%arg17 : memref<!tpu.dma_semaphore, #tpu.memory_space<semaphore_mem>>) src(%dma_wait3A_40 : memref<128x256xf32, #tpu.memory_space<hbm>>) dst(%arg11 : memref<128x256xf32, #tpu.memory_space<vmem>>)
    %dma_wait3A_41 = tpu.memref_slice %arg5[%add3A_4] : memref<32768xi32, #tpu.memory_space<hbm>> -> memref<128xi32, #tpu.memory_space<hbm>>
    %dma_wait3A_42 = tpu.memref_slice %arg5[%add3A_4] : memref<32768xi32, #tpu.memory_space<hbm>> -> memref<128xi32, #tpu.memory_space<hbm>>
    tpu.wait_dma2 semaphore(%arg17 : memref<!tpu.dma_semaphore, #tpu.memory_space<semaphore_mem>>) src(%dma_wait3A_42 : memref<128xi32, #tpu.memory_space<hbm>>) dst(%arg12 : memref<128xi32, #tpu.memory_space<vmem>>)
    %dma_start3A_43 = arith.constant 0 : i32
    %dma_start3A_44 = arith.constant 0 : i32
    %dma_start3A_45 = tpu.memref_slice %arg6[%dma_start3A_43, %dma_start3A_44] : memref<32768x128xf32, #tpu.memory_space<hbm>> -> memref<32768x128xf32, #tpu.memory_space<hbm>>
    tpu.enqueue_indirect_dma source(%arg10 : memref<128x128xf32, #tpu.memory_space<vmem>>) target(%dma_start3A_45 : memref<32768x128xf32, #tpu.memory_space<hbm>>) offsets(%arg9 : memref<128xi32, #tpu.memory_space<vmem>>) semaphore(%arg18 : memref<!tpu.dma_semaphore, #tpu.memory_space<semaphore_mem>>)
    %dma_start3A_46 = arith.constant 0 : i32
    %dma_start3A_47 = arith.constant 0 : i32
    %dma_start3A_48 = tpu.memref_slice %arg7[%dma_start3A_46, %dma_start3A_47] : memref<32768x256xf32, #tpu.memory_space<hbm>> -> memref<32768x256xf32, #tpu.memory_space<hbm>>
    tpu.enqueue_indirect_dma source(%arg11 : memref<128x256xf32, #tpu.memory_space<vmem>>) target(%dma_start3A_48 : memref<32768x256xf32, #tpu.memory_space<hbm>>) offsets(%arg9 : memref<128xi32, #tpu.memory_space<vmem>>) semaphore(%arg18 : memref<!tpu.dma_semaphore, #tpu.memory_space<semaphore_mem>>)
    %dma_start3A_49 = arith.constant 0 : i32
    %dma_start3A_50 = tpu.memref_slice %arg8[%dma_start3A_49] : memref<32768xi32, #tpu.memory_space<hbm>> -> memref<32768xi32, #tpu.memory_space<hbm>>
    tpu.enqueue_indirect_dma source(%arg12 : memref<128xi32, #tpu.memory_space<vmem>>) target(%dma_start3A_50 : memref<32768xi32, #tpu.memory_space<hbm>>) offsets(%arg9 : memref<128xi32, #tpu.memory_space<vmem>>) semaphore(%arg18 : memref<!tpu.dma_semaphore, #tpu.memory_space<semaphore_mem>>)
    %dma_wait3A_51 = arith.constant 0 : i32
    %dma_wait3A_52 = arith.constant 0 : i32
    %dma_wait3A_53 = tpu.memref_slice %arg6[%dma_wait3A_51, %dma_wait3A_52] : memref<32768x128xf32, #tpu.memory_space<hbm>> -> memref<32768x128xf32, #tpu.memory_space<hbm>>
    tpu.wait_indirect_dma semaphore(%arg18 : memref<!tpu.dma_semaphore, #tpu.memory_space<semaphore_mem>>) src(%arg10 : memref<128x128xf32, #tpu.memory_space<vmem>>) dst(%dma_wait3A_53 : memref<32768x128xf32, #tpu.memory_space<hbm>>)
    %dma_wait3A_54 = arith.constant 0 : i32
    %dma_wait3A_55 = arith.constant 0 : i32
    %dma_wait3A_56 = tpu.memref_slice %arg7[%dma_wait3A_54, %dma_wait3A_55] : memref<32768x256xf32, #tpu.memory_space<hbm>> -> memref<32768x256xf32, #tpu.memory_space<hbm>>
    tpu.wait_indirect_dma semaphore(%arg18 : memref<!tpu.dma_semaphore, #tpu.memory_space<semaphore_mem>>) src(%arg11 : memref<128x256xf32, #tpu.memory_space<vmem>>) dst(%dma_wait3A_56 : memref<32768x256xf32, #tpu.memory_space<hbm>>)
    %dma_wait3A_57 = arith.constant 0 : i32
    %dma_wait3A_58 = tpu.memref_slice %arg8[%dma_wait3A_57] : memref<32768xi32, #tpu.memory_space<hbm>> -> memref<32768xi32, #tpu.memory_space<hbm>>
    tpu.wait_indirect_dma semaphore(%arg18 : memref<!tpu.dma_semaphore, #tpu.memory_space<semaphore_mem>>) src(%arg12 : memref<128xi32, #tpu.memory_space<vmem>>) dst(%dma_wait3A_58 : memref<32768xi32, #tpu.memory_space<hbm>>)
    %mul3A_59 = arith.constant 1024 : i32
    %mul3A_60 = arith.muli %add3A, %mul3A_59 : i32
    %add3A_61 = arith.constant 256 : i32
    %add3A_62 = arith.addi %mul3A_60, %add3A_61 : i32
    %dma_start3A_63 = tpu.memref_slice %arg2[%add3A_62] : memref<32768xi32, #tpu.memory_space<hbm>> -> memref<128xi32, #tpu.memory_space<hbm>>
    %dma_start3A_64 = tpu.memref_slice %arg2[%add3A_62] : memref<32768xi32, #tpu.memory_space<hbm>> -> memref<128xi32, #tpu.memory_space<hbm>>
    tpu.enqueue_dma source(%dma_start3A_64 : memref<128xi32, #tpu.memory_space<hbm>>) target(%arg9 : memref<128xi32, #tpu.memory_space<vmem>>) target_semaphore(%arg17 : memref<!tpu.dma_semaphore, #tpu.memory_space<semaphore_mem>>)
    %dma_start3A_65 = arith.constant 0 : i32
    %dma_start3A_66 = tpu.memref_slice %arg3[%add3A_62, %dma_start3A_65] : memref<32768x128xf32, #tpu.memory_space<hbm>> -> memref<128x128xf32, #tpu.memory_space<hbm>>
    %dma_start3A_67 = arith.constant 0 : i32
    %dma_start3A_68 = tpu.memref_slice %arg3[%add3A_62, %dma_start3A_67] : memref<32768x128xf32, #tpu.memory_space<hbm>> -> memref<128x128xf32, #tpu.memory_space<hbm>>
    tpu.enqueue_dma source(%dma_start3A_68 : memref<128x128xf32, #tpu.memory_space<hbm>>) target(%arg10 : memref<128x128xf32, #tpu.memory_space<vmem>>) target_semaphore(%arg17 : memref<!tpu.dma_semaphore, #tpu.memory_space<semaphore_mem>>)
    %dma_start3A_69 = arith.constant 0 : i32
    %dma_start3A_70 = tpu.memref_slice %arg4[%add3A_62, %dma_start3A_69] : memref<32768x256xf32, #tpu.memory_space<hbm>> -> memref<128x256xf32, #tpu.memory_space<hbm>>
    %dma_start3A_71 = arith.constant 0 : i32
    %dma_start3A_72 = tpu.memref_slice %arg4[%add3A_62, %dma_start3A_71] : memref<32768x256xf32, #tpu.memory_space<hbm>> -> memref<128x256xf32, #tpu.memory_space<hbm>>
    tpu.enqueue_dma source(%dma_start3A_72 : memref<128x256xf32, #tpu.memory_space<hbm>>) target(%arg11 : memref<128x256xf32, #tpu.memory_space<vmem>>) target_semaphore(%arg17 : memref<!tpu.dma_semaphore, #tpu.memory_space<semaphore_mem>>)
    %dma_start3A_73 = tpu.memref_slice %arg5[%add3A_62] : memref<32768xi32, #tpu.memory_space<hbm>> -> memref<128xi32, #tpu.memory_space<hbm>>
    %dma_start3A_74 = tpu.memref_slice %arg5[%add3A_62] : memref<32768xi32, #tpu.memory_space<hbm>> -> memref<128xi32, #tpu.memory_space<hbm>>
    tpu.enqueue_dma source(%dma_start3A_74 : memref<128xi32, #tpu.memory_space<hbm>>) target(%arg12 : memref<128xi32, #tpu.memory_space<vmem>>) target_semaphore(%arg17 : memref<!tpu.dma_semaphore, #tpu.memory_space<semaphore_mem>>)
    %dma_wait3A_75 = tpu.memref_slice %arg2[%add3A_19] : memref<32768xi32, #tpu.memory_space<hbm>> -> memref<128xi32, #tpu.memory_space<hbm>>
    %dma_wait3A_76 = tpu.memref_slice %arg2[%add3A_19] : memref<32768xi32, #tpu.memory_space<hbm>> -> memref<128xi32, #tpu.memory_space<hbm>>
    tpu.wait_dma2 semaphore(%arg17 : memref<!tpu.dma_semaphore, #tpu.memory_space<semaphore_mem>>) src(%dma_wait3A_76 : memref<128xi32, #tpu.memory_space<hbm>>) dst(%arg13 : memref<128xi32, #tpu.memory_space<vmem>>)
    %dma_wait3A_77 = arith.constant 0 : i32
    %dma_wait3A_78 = tpu.memref_slice %arg3[%add3A_19, %dma_wait3A_77] : memref<32768x128xf32, #tpu.memory_space<hbm>> -> memref<128x128xf32, #tpu.memory_space<hbm>>
    %dma_wait3A_79 = arith.constant 0 : i32
    %dma_wait3A_80 = tpu.memref_slice %arg3[%add3A_19, %dma_wait3A_79] : memref<32768x128xf32, #tpu.memory_space<hbm>> -> memref<128x128xf32, #tpu.memory_space<hbm>>
    tpu.wait_dma2 semaphore(%arg17 : memref<!tpu.dma_semaphore, #tpu.memory_space<semaphore_mem>>) src(%dma_wait3A_80 : memref<128x128xf32, #tpu.memory_space<hbm>>) dst(%arg14 : memref<128x128xf32, #tpu.memory_space<vmem>>)
    %dma_wait3A_81 = arith.constant 0 : i32
    %dma_wait3A_82 = tpu.memref_slice %arg4[%add3A_19, %dma_wait3A_81] : memref<32768x256xf32, #tpu.memory_space<hbm>> -> memref<128x256xf32, #tpu.memory_space<hbm>>
    %dma_wait3A_83 = arith.constant 0 : i32
    %dma_wait3A_84 = tpu.memref_slice %arg4[%add3A_19, %dma_wait3A_83] : memref<32768x256xf32, #tpu.memory_space<hbm>> -> memref<128x256xf32, #tpu.memory_space<hbm>>
    tpu.wait_dma2 semaphore(%arg17 : memref<!tpu.dma_semaphore, #tpu.memory_space<semaphore_mem>>) src(%dma_wait3A_84 : memref<128x256xf32, #tpu.memory_space<hbm>>) dst(%arg15 : memref<128x256xf32, #tpu.memory_space<vmem>>)
    %dma_wait3A_85 = tpu.memref_slice %arg5[%add3A_19] : memref<32768xi32, #tpu.memory_space<hbm>> -> memref<128xi32, #tpu.memory_space<hbm>>
    %dma_wait3A_86 = tpu.memref_slice %arg5[%add3A_19] : memref<32768xi32, #tpu.memory_space<hbm>> -> memref<128xi32, #tpu.memory_space<hbm>>
    tpu.wait_dma2 semaphore(%arg17 : memref<!tpu.dma_semaphore, #tpu.memory_space<semaphore_mem>>) src(%dma_wait3A_86 : memref<128xi32, #tpu.memory_space<hbm>>) dst(%arg16 : memref<128xi32, #tpu.memory_space<vmem>>)
    %dma_start3A_87 = arith.constant 0 : i32
    %dma_start3A_88 = arith.constant 0 : i32
    %dma_start3A_89 = tpu.memref_slice %arg6[%dma_start3A_87, %dma_start3A_88] : memref<32768x128xf32, #tpu.memory_space<hbm>> -> memref<32768x128xf32, #tpu.memory_space<hbm>>
    tpu.enqueue_indirect_dma source(%arg14 : memref<128x128xf32, #tpu.memory_space<vmem>>) target(%dma_start3A_89 : memref<32768x128xf32, #tpu.memory_space<hbm>>) offsets(%arg13 : memref<128xi32, #tpu.memory_space<vmem>>) semaphore(%arg18 : memref<!tpu.dma_semaphore, #tpu.memory_space<semaphore_mem>>)
    %dma_start3A_90 = arith.constant 0 : i32
    %dma_start3A_91 = arith.constant 0 : i32
    %dma_start3A_92 = tpu.memref_slice %arg7[%dma_start3A_90, %dma_start3A_91] : memref<32768x256xf32, #tpu.memory_space<hbm>> -> memref<32768x256xf32, #tpu.memory_space<hbm>>
    tpu.enqueue_indirect_dma source(%arg15 : memref<128x256xf32, #tpu.memory_space<vmem>>) target(%dma_start3A_92 : memref<32768x256xf32, #tpu.memory_space<hbm>>) offsets(%arg13 : memref<128xi32, #tpu.memory_space<vmem>>) semaphore(%arg18 : memref<!tpu.dma_semaphore, #tpu.memory_space<semaphore_mem>>)
    %dma_start3A_93 = arith.constant 0 : i32
    %dma_start3A_94 = tpu.memref_slice %arg8[%dma_start3A_93] : memref<32768xi32, #tpu.memory_space<hbm>> -> memref<32768xi32, #tpu.memory_space<hbm>>
    tpu.enqueue_indirect_dma source(%arg16 : memref<128xi32, #tpu.memory_space<vmem>>) target(%dma_start3A_94 : memref<32768xi32, #tpu.memory_space<hbm>>) offsets(%arg13 : memref<128xi32, #tpu.memory_space<vmem>>) semaphore(%arg18 : memref<!tpu.dma_semaphore, #tpu.memory_space<semaphore_mem>>)
    %dma_wait3A_95 = arith.constant 0 : i32
    %dma_wait3A_96 = arith.constant 0 : i32
    %dma_wait3A_97 = tpu.memref_slice %arg6[%dma_wait3A_95, %dma_wait3A_96] : memref<32768x128xf32, #tpu.memory_space<hbm>> -> memref<32768x128xf32, #tpu.memory_space<hbm>>
    tpu.wait_indirect_dma semaphore(%arg18 : memref<!tpu.dma_semaphore, #tpu.memory_space<semaphore_mem>>) src(%arg14 : memref<128x128xf32, #tpu.memory_space<vmem>>) dst(%dma_wait3A_97 : memref<32768x128xf32, #tpu.memory_space<hbm>>)
    %dma_wait3A_98 = arith.constant 0 : i32
    %dma_wait3A_99 = arith.constant 0 : i32
    %dma_wait3A_100 = tpu.memref_slice %arg7[%dma_wait3A_98, %dma_wait3A_99] : memref<32768x256xf32, #tpu.memory_space<hbm>> -> memref<32768x256xf32, #tpu.memory_space<hbm>>
    tpu.wait_indirect_dma semaphore(%arg18 : memref<!tpu.dma_semaphore, #tpu.memory_space<semaphore_mem>>) src(%arg15 : memref<128x256xf32, #tpu.memory_space<vmem>>) dst(%dma_wait3A_100 : memref<32768x256xf32, #tpu.memory_space<hbm>>)
    %dma_wait3A_101 = arith.constant 0 : i32
    %dma_wait3A_102 = tpu.memref_slice %arg8[%dma_wait3A_101] : memref<32768xi32, #tpu.memory_space<hbm>> -> memref<32768xi32, #tpu.memory_space<hbm>>
    tpu.wait_indirect_dma semaphore(%arg18 : memref<!tpu.dma_semaphore, #tpu.memory_space<semaphore_mem>>) src(%arg16 : memref<128xi32, #tpu.memory_space<vmem>>) dst(%dma_wait3A_102 : memref<32768xi32, #tpu.memory_space<hbm>>)
    %mul3A_103 = arith.constant 1024 : i32
    %mul3A_104 = arith.muli %add3A, %mul3A_103 : i32
    %add3A_105 = arith.constant 384 : i32
    %add3A_106 = arith.addi %mul3A_104, %add3A_105 : i32
    %dma_start3A_107 = tpu.memref_slice %arg2[%add3A_106] : memref<32768xi32, #tpu.memory_space<hbm>> -> memref<128xi32, #tpu.memory_space<hbm>>
    %dma_start3A_108 = tpu.memref_slice %arg2[%add3A_106] : memref<32768xi32, #tpu.memory_space<hbm>> -> memref<128xi32, #tpu.memory_space<hbm>>
    tpu.enqueue_dma source(%dma_start3A_108 : memref<128xi32, #tpu.memory_space<hbm>>) target(%arg13 : memref<128xi32, #tpu.memory_space<vmem>>) target_semaphore(%arg17 : memref<!tpu.dma_semaphore, #tpu.memory_space<semaphore_mem>>)
    %dma_start3A_109 = arith.constant 0 : i32
    %dma_start3A_110 = tpu.memref_slice %arg3[%add3A_106, %dma_start3A_109] : memref<32768x128xf32, #tpu.memory_space<hbm>> -> memref<128x128xf32, #tpu.memory_space<hbm>>
    %dma_start3A_111 = arith.constant 0 : i32
    %dma_start3A_112 = tpu.memref_slice %arg3[%add3A_106, %dma_start3A_111] : memref<32768x128xf32, #tpu.memory_space<hbm>> -> memref<128x128xf32, #tpu.memory_space<hbm>>
    tpu.enqueue_dma source(%dma_start3A_112 : memref<128x128xf32, #tpu.memory_space<hbm>>) target(%arg14 : memref<128x128xf32, #tpu.memory_space<vmem>>) target_semaphore(%arg17 : memref<!tpu.dma_semaphore, #tpu.memory_space<semaphore_mem>>)
    %dma_start3A_113 = arith.constant 0 : i32
    %dma_start3A_114 = tpu.memref_slice %arg4[%add3A_106, %dma_start3A_113] : memref<32768x256xf32, #tpu.memory_space<hbm>> -> memref<128x256xf32, #tpu.memory_space<hbm>>
    %dma_start3A_115 = arith.constant 0 : i32
    %dma_start3A_116 = tpu.memref_slice %arg4[%add3A_106, %dma_start3A_115] : memref<32768x256xf32, #tpu.memory_space<hbm>> -> memref<128x256xf32, #tpu.memory_space<hbm>>
    tpu.enqueue_dma source(%dma_start3A_116 : memref<128x256xf32, #tpu.memory_space<hbm>>) target(%arg15 : memref<128x256xf32, #tpu.memory_space<vmem>>) target_semaphore(%arg17 : memref<!tpu.dma_semaphore, #tpu.memory_space<semaphore_mem>>)
    %dma_start3A_117 = tpu.memref_slice %arg5[%add3A_106] : memref<32768xi32, #tpu.memory_space<hbm>> -> memref<128xi32, #tpu.memory_space<hbm>>
    %dma_start3A_118 = tpu.memref_slice %arg5[%add3A_106] : memref<32768xi32, #tpu.memory_space<hbm>> -> memref<128xi32, #tpu.memory_space<hbm>>
    tpu.enqueue_dma source(%dma_start3A_118 : memref<128xi32, #tpu.memory_space<hbm>>) target(%arg16 : memref<128xi32, #tpu.memory_space<vmem>>) target_semaphore(%arg17 : memref<!tpu.dma_semaphore, #tpu.memory_space<semaphore_mem>>)
    %dma_wait3A_119 = tpu.memref_slice %arg2[%add3A_62] : memref<32768xi32, #tpu.memory_space<hbm>> -> memref<128xi32, #tpu.memory_space<hbm>>
    %dma_wait3A_120 = tpu.memref_slice %arg2[%add3A_62] : memref<32768xi32, #tpu.memory_space<hbm>> -> memref<128xi32, #tpu.memory_space<hbm>>
    tpu.wait_dma2 semaphore(%arg17 : memref<!tpu.dma_semaphore, #tpu.memory_space<semaphore_mem>>) src(%dma_wait3A_120 : memref<128xi32, #tpu.memory_space<hbm>>) dst(%arg9 : memref<128xi32, #tpu.memory_space<vmem>>)
    %dma_wait3A_121 = arith.constant 0 : i32
    %dma_wait3A_122 = tpu.memref_slice %arg3[%add3A_62, %dma_wait3A_121] : memref<32768x128xf32, #tpu.memory_space<hbm>> -> memref<128x128xf32, #tpu.memory_space<hbm>>
    %dma_wait3A_123 = arith.constant 0 : i32
    %dma_wait3A_124 = tpu.memref_slice %arg3[%add3A_62, %dma_wait3A_123] : memref<32768x128xf32, #tpu.memory_space<hbm>> -> memref<128x128xf32, #tpu.memory_space<hbm>>
    tpu.wait_dma2 semaphore(%arg17 : memref<!tpu.dma_semaphore, #tpu.memory_space<semaphore_mem>>) src(%dma_wait3A_124 : memref<128x128xf32, #tpu.memory_space<hbm>>) dst(%arg10 : memref<128x128xf32, #tpu.memory_space<vmem>>)
    %dma_wait3A_125 = arith.constant 0 : i32
    %dma_wait3A_126 = tpu.memref_slice %arg4[%add3A_62, %dma_wait3A_125] : memref<32768x256xf32, #tpu.memory_space<hbm>> -> memref<128x256xf32, #tpu.memory_space<hbm>>
    %dma_wait3A_127 = arith.constant 0 : i32
    %dma_wait3A_128 = tpu.memref_slice %arg4[%add3A_62, %dma_wait3A_127] : memref<32768x256xf32, #tpu.memory_space<hbm>> -> memref<128x256xf32, #tpu.memory_space<hbm>>
    tpu.wait_dma2 semaphore(%arg17 : memref<!tpu.dma_semaphore, #tpu.memory_space<semaphore_mem>>) src(%dma_wait3A_128 : memref<128x256xf32, #tpu.memory_space<hbm>>) dst(%arg11 : memref<128x256xf32, #tpu.memory_space<vmem>>)
    %dma_wait3A_129 = tpu.memref_slice %arg5[%add3A_62] : memref<32768xi32, #tpu.memory_space<hbm>> -> memref<128xi32, #tpu.memory_space<hbm>>
    %dma_wait3A_130 = tpu.memref_slice %arg5[%add3A_62] : memref<32768xi32, #tpu.memory_space<hbm>> -> memref<128xi32, #tpu.memory_space<hbm>>
    tpu.wait_dma2 semaphore(%arg17 : memref<!tpu.dma_semaphore, #tpu.memory_space<semaphore_mem>>) src(%dma_wait3A_130 : memref<128xi32, #tpu.memory_space<hbm>>) dst(%arg12 : memref<128xi32, #tpu.memory_space<vmem>>)
    %dma_start3A_131 = arith.constant 0 : i32
    %dma_start3A_132 = arith.constant 0 : i32
    %dma_start3A_133 = tpu.memref_slice %arg6[%dma_start3A_131, %dma_start3A_132] : memref<32768x128xf32, #tpu.memory_space<hbm>> -> memref<32768x128xf32, #tpu.memory_space<hbm>>
    tpu.enqueue_indirect_dma source(%arg10 : memref<128x128xf32, #tpu.memory_space<vmem>>) target(%dma_start3A_133 : memref<32768x128xf32, #tpu.memory_space<hbm>>) offsets(%arg9 : memref<128xi32, #tpu.memory_space<vmem>>) semaphore(%arg18 : memref<!tpu.dma_semaphore, #tpu.memory_space<semaphore_mem>>)
    %dma_start3A_134 = arith.constant 0 : i32
    %dma_start3A_135 = arith.constant 0 : i32
    %dma_start3A_136 = tpu.memref_slice %arg7[%dma_start3A_134, %dma_start3A_135] : memref<32768x256xf32, #tpu.memory_space<hbm>> -> memref<32768x256xf32, #tpu.memory_space<hbm>>
    tpu.enqueue_indirect_dma source(%arg11 : memref<128x256xf32, #tpu.memory_space<vmem>>) target(%dma_start3A_136 : memref<32768x256xf32, #tpu.memory_space<hbm>>) offsets(%arg9 : memref<128xi32, #tpu.memory_space<vmem>>) semaphore(%arg18 : memref<!tpu.dma_semaphore, #tpu.memory_space<semaphore_mem>>)
    %dma_start3A_137 = arith.constant 0 : i32
    %dma_start3A_138 = tpu.memref_slice %arg8[%dma_start3A_137] : memref<32768xi32, #tpu.memory_space<hbm>> -> memref<32768xi32, #tpu.memory_space<hbm>>
    tpu.enqueue_indirect_dma source(%arg12 : memref<128xi32, #tpu.memory_space<vmem>>) target(%dma_start3A_138 : memref<32768xi32, #tpu.memory_space<hbm>>) offsets(%arg9 : memref<128xi32, #tpu.memory_space<vmem>>) semaphore(%arg18 : memref<!tpu.dma_semaphore, #tpu.memory_space<semaphore_mem>>)
    %dma_wait3A_139 = arith.constant 0 : i32
    %dma_wait3A_140 = arith.constant 0 : i32
    %dma_wait3A_141 = tpu.memref_slice %arg6[%dma_wait3A_139, %dma_wait3A_140] : memref<32768x128xf32, #tpu.memory_space<hbm>> -> memref<32768x128xf32, #tpu.memory_space<hbm>>
    tpu.wait_indirect_dma semaphore(%arg18 : memref<!tpu.dma_semaphore, #tpu.memory_space<semaphore_mem>>) src(%arg10 : memref<128x128xf32, #tpu.memory_space<vmem>>) dst(%dma_wait3A_141 : memref<32768x128xf32, #tpu.memory_space<hbm>>)
    %dma_wait3A_142 = arith.constant 0 : i32
    %dma_wait3A_143 = arith.constant 0 : i32
    %dma_wait3A_144 = tpu.memref_slice %arg7[%dma_wait3A_142, %dma_wait3A_143] : memref<32768x256xf32, #tpu.memory_space<hbm>> -> memref<32768x256xf32, #tpu.memory_space<hbm>>
    tpu.wait_indirect_dma semaphore(%arg18 : memref<!tpu.dma_semaphore, #tpu.memory_space<semaphore_mem>>) src(%arg11 : memref<128x256xf32, #tpu.memory_space<vmem>>) dst(%dma_wait3A_144 : memref<32768x256xf32, #tpu.memory_space<hbm>>)
    %dma_wait3A_145 = arith.constant 0 : i32
    %dma_wait3A_146 = tpu.memref_slice %arg8[%dma_wait3A_145] : memref<32768xi32, #tpu.memory_space<hbm>> -> memref<32768xi32, #tpu.memory_space<hbm>>
    tpu.wait_indirect_dma semaphore(%arg18 : memref<!tpu.dma_semaphore, #tpu.memory_space<semaphore_mem>>) src(%arg12 : memref<128xi32, #tpu.memory_space<vmem>>) dst(%dma_wait3A_146 : memref<32768xi32, #tpu.memory_space<hbm>>)
    %mul3A_147 = arith.constant 1024 : i32
    %mul3A_148 = arith.muli %add3A, %mul3A_147 : i32
    %add3A_149 = arith.constant 512 : i32
    %add3A_150 = arith.addi %mul3A_148, %add3A_149 : i32
    %dma_start3A_151 = tpu.memref_slice %arg2[%add3A_150] : memref<32768xi32, #tpu.memory_space<hbm>> -> memref<128xi32, #tpu.memory_space<hbm>>
    %dma_start3A_152 = tpu.memref_slice %arg2[%add3A_150] : memref<32768xi32, #tpu.memory_space<hbm>> -> memref<128xi32, #tpu.memory_space<hbm>>
    tpu.enqueue_dma source(%dma_start3A_152 : memref<128xi32, #tpu.memory_space<hbm>>) target(%arg9 : memref<128xi32, #tpu.memory_space<vmem>>) target_semaphore(%arg17 : memref<!tpu.dma_semaphore, #tpu.memory_space<semaphore_mem>>)
    %dma_start3A_153 = arith.constant 0 : i32
    %dma_start3A_154 = tpu.memref_slice %arg3[%add3A_150, %dma_start3A_153] : memref<32768x128xf32, #tpu.memory_space<hbm>> -> memref<128x128xf32, #tpu.memory_space<hbm>>
    %dma_start3A_155 = arith.constant 0 : i32
    %dma_start3A_156 = tpu.memref_slice %arg3[%add3A_150, %dma_start3A_155] : memref<32768x128xf32, #tpu.memory_space<hbm>> -> memref<128x128xf32, #tpu.memory_space<hbm>>
    tpu.enqueue_dma source(%dma_start3A_156 : memref<128x128xf32, #tpu.memory_space<hbm>>) target(%arg10 : memref<128x128xf32, #tpu.memory_space<vmem>>) target_semaphore(%arg17 : memref<!tpu.dma_semaphore, #tpu.memory_space<semaphore_mem>>)
    %dma_start3A_157 = arith.constant 0 : i32
    %dma_start3A_158 = tpu.memref_slice %arg4[%add3A_150, %dma_start3A_157] : memref<32768x256xf32, #tpu.memory_space<hbm>> -> memref<128x256xf32, #tpu.memory_space<hbm>>
    %dma_start3A_159 = arith.constant 0 : i32
    %dma_start3A_160 = tpu.memref_slice %arg4[%add3A_150, %dma_start3A_159] : memref<32768x256xf32, #tpu.memory_space<hbm>> -> memref<128x256xf32, #tpu.memory_space<hbm>>
    tpu.enqueue_dma source(%dma_start3A_160 : memref<128x256xf32, #tpu.memory_space<hbm>>) target(%arg11 : memref<128x256xf32, #tpu.memory_space<vmem>>) target_semaphore(%arg17 : memref<!tpu.dma_semaphore, #tpu.memory_space<semaphore_mem>>)
    %dma_start3A_161 = tpu.memref_slice %arg5[%add3A_150] : memref<32768xi32, #tpu.memory_space<hbm>> -> memref<128xi32, #tpu.memory_space<hbm>>
    %dma_start3A_162 = tpu.memref_slice %arg5[%add3A_150] : memref<32768xi32, #tpu.memory_space<hbm>> -> memref<128xi32, #tpu.memory_space<hbm>>
    tpu.enqueue_dma source(%dma_start3A_162 : memref<128xi32, #tpu.memory_space<hbm>>) target(%arg12 : memref<128xi32, #tpu.memory_space<vmem>>) target_semaphore(%arg17 : memref<!tpu.dma_semaphore, #tpu.memory_space<semaphore_mem>>)
    %dma_wait3A_163 = tpu.memref_slice %arg2[%add3A_106] : memref<32768xi32, #tpu.memory_space<hbm>> -> memref<128xi32, #tpu.memory_space<hbm>>
    %dma_wait3A_164 = tpu.memref_slice %arg2[%add3A_106] : memref<32768xi32, #tpu.memory_space<hbm>> -> memref<128xi32, #tpu.memory_space<hbm>>
    tpu.wait_dma2 semaphore(%arg17 : memref<!tpu.dma_semaphore, #tpu.memory_space<semaphore_mem>>) src(%dma_wait3A_164 : memref<128xi32, #tpu.memory_space<hbm>>) dst(%arg13 : memref<128xi32, #tpu.memory_space<vmem>>)
    %dma_wait3A_165 = arith.constant 0 : i32
    %dma_wait3A_166 = tpu.memref_slice %arg3[%add3A_106, %dma_wait3A_165] : memref<32768x128xf32, #tpu.memory_space<hbm>> -> memref<128x128xf32, #tpu.memory_space<hbm>>
    %dma_wait3A_167 = arith.constant 0 : i32
    %dma_wait3A_168 = tpu.memref_slice %arg3[%add3A_106, %dma_wait3A_167] : memref<32768x128xf32, #tpu.memory_space<hbm>> -> memref<128x128xf32, #tpu.memory_space<hbm>>
    tpu.wait_dma2 semaphore(%arg17 : memref<!tpu.dma_semaphore, #tpu.memory_space<semaphore_mem>>) src(%dma_wait3A_168 : memref<128x128xf32, #tpu.memory_space<hbm>>) dst(%arg14 : memref<128x128xf32, #tpu.memory_space<vmem>>)
    %dma_wait3A_169 = arith.constant 0 : i32
    %dma_wait3A_170 = tpu.memref_slice %arg4[%add3A_106, %dma_wait3A_169] : memref<32768x256xf32, #tpu.memory_space<hbm>> -> memref<128x256xf32, #tpu.memory_space<hbm>>
    %dma_wait3A_171 = arith.constant 0 : i32
    %dma_wait3A_172 = tpu.memref_slice %arg4[%add3A_106, %dma_wait3A_171] : memref<32768x256xf32, #tpu.memory_space<hbm>> -> memref<128x256xf32, #tpu.memory_space<hbm>>
    tpu.wait_dma2 semaphore(%arg17 : memref<!tpu.dma_semaphore, #tpu.memory_space<semaphore_mem>>) src(%dma_wait3A_172 : memref<128x256xf32, #tpu.memory_space<hbm>>) dst(%arg15 : memref<128x256xf32, #tpu.memory_space<vmem>>)
    %dma_wait3A_173 = tpu.memref_slice %arg5[%add3A_106] : memref<32768xi32, #tpu.memory_space<hbm>> -> memref<128xi32, #tpu.memory_space<hbm>>
    %dma_wait3A_174 = tpu.memref_slice %arg5[%add3A_106] : memref<32768xi32, #tpu.memory_space<hbm>> -> memref<128xi32, #tpu.memory_space<hbm>>
    tpu.wait_dma2 semaphore(%arg17 : memref<!tpu.dma_semaphore, #tpu.memory_space<semaphore_mem>>) src(%dma_wait3A_174 : memref<128xi32, #tpu.memory_space<hbm>>) dst(%arg16 : memref<128xi32, #tpu.memory_space<vmem>>)
    %dma_start3A_175 = arith.constant 0 : i32
    %dma_start3A_176 = arith.constant 0 : i32
    %dma_start3A_177 = tpu.memref_slice %arg6[%dma_start3A_175, %dma_start3A_176] : memref<32768x128xf32, #tpu.memory_space<hbm>> -> memref<32768x128xf32, #tpu.memory_space<hbm>>
    tpu.enqueue_indirect_dma source(%arg14 : memref<128x128xf32, #tpu.memory_space<vmem>>) target(%dma_start3A_177 : memref<32768x128xf32, #tpu.memory_space<hbm>>) offsets(%arg13 : memref<128xi32, #tpu.memory_space<vmem>>) semaphore(%arg18 : memref<!tpu.dma_semaphore, #tpu.memory_space<semaphore_mem>>)
    %dma_start3A_178 = arith.constant 0 : i32
    %dma_start3A_179 = arith.constant 0 : i32
    %dma_start3A_180 = tpu.memref_slice %arg7[%dma_start3A_178, %dma_start3A_179] : memref<32768x256xf32, #tpu.memory_space<hbm>> -> memref<32768x256xf32, #tpu.memory_space<hbm>>
    tpu.enqueue_indirect_dma source(%arg15 : memref<128x256xf32, #tpu.memory_space<vmem>>) target(%dma_start3A_180 : memref<32768x256xf32, #tpu.memory_space<hbm>>) offsets(%arg13 : memref<128xi32, #tpu.memory_space<vmem>>) semaphore(%arg18 : memref<!tpu.dma_semaphore, #tpu.memory_space<semaphore_mem>>)
    %dma_start3A_181 = arith.constant 0 : i32
    %dma_start3A_182 = tpu.memref_slice %arg8[%dma_start3A_181] : memref<32768xi32, #tpu.memory_space<hbm>> -> memref<32768xi32, #tpu.memory_space<hbm>>
    tpu.enqueue_indirect_dma source(%arg16 : memref<128xi32, #tpu.memory_space<vmem>>) target(%dma_start3A_182 : memref<32768xi32, #tpu.memory_space<hbm>>) offsets(%arg13 : memref<128xi32, #tpu.memory_space<vmem>>) semaphore(%arg18 : memref<!tpu.dma_semaphore, #tpu.memory_space<semaphore_mem>>)
    %dma_wait3A_183 = arith.constant 0 : i32
    %dma_wait3A_184 = arith.constant 0 : i32
    %dma_wait3A_185 = tpu.memref_slice %arg6[%dma_wait3A_183, %dma_wait3A_184] : memref<32768x128xf32, #tpu.memory_space<hbm>> -> memref<32768x128xf32, #tpu.memory_space<hbm>>
    tpu.wait_indirect_dma semaphore(%arg18 : memref<!tpu.dma_semaphore, #tpu.memory_space<semaphore_mem>>) src(%arg14 : memref<128x128xf32, #tpu.memory_space<vmem>>) dst(%dma_wait3A_185 : memref<32768x128xf32, #tpu.memory_space<hbm>>)
    %dma_wait3A_186 = arith.constant 0 : i32
    %dma_wait3A_187 = arith.constant 0 : i32
    %dma_wait3A_188 = tpu.memref_slice %arg7[%dma_wait3A_186, %dma_wait3A_187] : memref<32768x256xf32, #tpu.memory_space<hbm>> -> memref<32768x256xf32, #tpu.memory_space<hbm>>
    tpu.wait_indirect_dma semaphore(%arg18 : memref<!tpu.dma_semaphore, #tpu.memory_space<semaphore_mem>>) src(%arg15 : memref<128x256xf32, #tpu.memory_space<vmem>>) dst(%dma_wait3A_188 : memref<32768x256xf32, #tpu.memory_space<hbm>>)
    %dma_wait3A_189 = arith.constant 0 : i32
    %dma_wait3A_190 = tpu.memref_slice %arg8[%dma_wait3A_189] : memref<32768xi32, #tpu.memory_space<hbm>> -> memref<32768xi32, #tpu.memory_space<hbm>>
    tpu.wait_indirect_dma semaphore(%arg18 : memref<!tpu.dma_semaphore, #tpu.memory_space<semaphore_mem>>) src(%arg16 : memref<128xi32, #tpu.memory_space<vmem>>) dst(%dma_wait3A_190 : memref<32768xi32, #tpu.memory_space<hbm>>)
    %mul3A_191 = arith.constant 1024 : i32
    %mul3A_192 = arith.muli %add3A, %mul3A_191 : i32
    %add3A_193 = arith.constant 640 : i32
    %add3A_194 = arith.addi %mul3A_192, %add3A_193 : i32
    %dma_start3A_195 = tpu.memref_slice %arg2[%add3A_194] : memref<32768xi32, #tpu.memory_space<hbm>> -> memref<128xi32, #tpu.memory_space<hbm>>
    %dma_start3A_196 = tpu.memref_slice %arg2[%add3A_194] : memref<32768xi32, #tpu.memory_space<hbm>> -> memref<128xi32, #tpu.memory_space<hbm>>
    tpu.enqueue_dma source(%dma_start3A_196 : memref<128xi32, #tpu.memory_space<hbm>>) target(%arg13 : memref<128xi32, #tpu.memory_space<vmem>>) target_semaphore(%arg17 : memref<!tpu.dma_semaphore, #tpu.memory_space<semaphore_mem>>)
    %dma_start3A_197 = arith.constant 0 : i32
    %dma_start3A_198 = tpu.memref_slice %arg3[%add3A_194, %dma_start3A_197] : memref<32768x128xf32, #tpu.memory_space<hbm>> -> memref<128x128xf32, #tpu.memory_space<hbm>>
    %dma_start3A_199 = arith.constant 0 : i32
    %dma_start3A_200 = tpu.memref_slice %arg3[%add3A_194, %dma_start3A_199] : memref<32768x128xf32, #tpu.memory_space<hbm>> -> memref<128x128xf32, #tpu.memory_space<hbm>>
    tpu.enqueue_dma source(%dma_start3A_200 : memref<128x128xf32, #tpu.memory_space<hbm>>) target(%arg14 : memref<128x128xf32, #tpu.memory_space<vmem>>) target_semaphore(%arg17 : memref<!tpu.dma_semaphore, #tpu.memory_space<semaphore_mem>>)
    %dma_start3A_201 = arith.constant 0 : i32
    %dma_start3A_202 = tpu.memref_slice %arg4[%add3A_194, %dma_start3A_201] : memref<32768x256xf32, #tpu.memory_space<hbm>> -> memref<128x256xf32, #tpu.memory_space<hbm>>
    %dma_start3A_203 = arith.constant 0 : i32
    %dma_start3A_204 = tpu.memref_slice %arg4[%add3A_194, %dma_start3A_203] : memref<32768x256xf32, #tpu.memory_space<hbm>> -> memref<128x256xf32, #tpu.memory_space<hbm>>
    tpu.enqueue_dma source(%dma_start3A_204 : memref<128x256xf32, #tpu.memory_space<hbm>>) target(%arg15 : memref<128x256xf32, #tpu.memory_space<vmem>>) target_semaphore(%arg17 : memref<!tpu.dma_semaphore, #tpu.memory_space<semaphore_mem>>)
    %dma_start3A_205 = tpu.memref_slice %arg5[%add3A_194] : memref<32768xi32, #tpu.memory_space<hbm>> -> memref<128xi32, #tpu.memory_space<hbm>>
    %dma_start3A_206 = tpu.memref_slice %arg5[%add3A_194] : memref<32768xi32, #tpu.memory_space<hbm>> -> memref<128xi32, #tpu.memory_space<hbm>>
    tpu.enqueue_dma source(%dma_start3A_206 : memref<128xi32, #tpu.memory_space<hbm>>) target(%arg16 : memref<128xi32, #tpu.memory_space<vmem>>) target_semaphore(%arg17 : memref<!tpu.dma_semaphore, #tpu.memory_space<semaphore_mem>>)
    %dma_wait3A_207 = tpu.memref_slice %arg2[%add3A_150] : memref<32768xi32, #tpu.memory_space<hbm>> -> memref<128xi32, #tpu.memory_space<hbm>>
    %dma_wait3A_208 = tpu.memref_slice %arg2[%add3A_150] : memref<32768xi32, #tpu.memory_space<hbm>> -> memref<128xi32, #tpu.memory_space<hbm>>
    tpu.wait_dma2 semaphore(%arg17 : memref<!tpu.dma_semaphore, #tpu.memory_space<semaphore_mem>>) src(%dma_wait3A_208 : memref<128xi32, #tpu.memory_space<hbm>>) dst(%arg9 : memref<128xi32, #tpu.memory_space<vmem>>)
    %dma_wait3A_209 = arith.constant 0 : i32
    %dma_wait3A_210 = tpu.memref_slice %arg3[%add3A_150, %dma_wait3A_209] : memref<32768x128xf32, #tpu.memory_space<hbm>> -> memref<128x128xf32, #tpu.memory_space<hbm>>
    %dma_wait3A_211 = arith.constant 0 : i32
    %dma_wait3A_212 = tpu.memref_slice %arg3[%add3A_150, %dma_wait3A_211] : memref<32768x128xf32, #tpu.memory_space<hbm>> -> memref<128x128xf32, #tpu.memory_space<hbm>>
    tpu.wait_dma2 semaphore(%arg17 : memref<!tpu.dma_semaphore, #tpu.memory_space<semaphore_mem>>) src(%dma_wait3A_212 : memref<128x128xf32, #tpu.memory_space<hbm>>) dst(%arg10 : memref<128x128xf32, #tpu.memory_space<vmem>>)
    %dma_wait3A_213 = arith.constant 0 : i32
    %dma_wait3A_214 = tpu.memref_slice %arg4[%add3A_150, %dma_wait3A_213] : memref<32768x256xf32, #tpu.memory_space<hbm>> -> memref<128x256xf32, #tpu.memory_space<hbm>>
    %dma_wait3A_215 = arith.constant 0 : i32
    %dma_wait3A_216 = tpu.memref_slice %arg4[%add3A_150, %dma_wait3A_215] : memref<32768x256xf32, #tpu.memory_space<hbm>> -> memref<128x256xf32, #tpu.memory_space<hbm>>
    tpu.wait_dma2 semaphore(%arg17 : memref<!tpu.dma_semaphore, #tpu.memory_space<semaphore_mem>>) src(%dma_wait3A_216 : memref<128x256xf32, #tpu.memory_space<hbm>>) dst(%arg11 : memref<128x256xf32, #tpu.memory_space<vmem>>)
    %dma_wait3A_217 = tpu.memref_slice %arg5[%add3A_150] : memref<32768xi32, #tpu.memory_space<hbm>> -> memref<128xi32, #tpu.memory_space<hbm>>
    %dma_wait3A_218 = tpu.memref_slice %arg5[%add3A_150] : memref<32768xi32, #tpu.memory_space<hbm>> -> memref<128xi32, #tpu.memory_space<hbm>>
    tpu.wait_dma2 semaphore(%arg17 : memref<!tpu.dma_semaphore, #tpu.memory_space<semaphore_mem>>) src(%dma_wait3A_218 : memref<128xi32, #tpu.memory_space<hbm>>) dst(%arg12 : memref<128xi32, #tpu.memory_space<vmem>>)
    %dma_start3A_219 = arith.constant 0 : i32
    %dma_start3A_220 = arith.constant 0 : i32
    %dma_start3A_221 = tpu.memref_slice %arg6[%dma_start3A_219, %dma_start3A_220] : memref<32768x128xf32, #tpu.memory_space<hbm>> -> memref<32768x128xf32, #tpu.memory_space<hbm>>
    tpu.enqueue_indirect_dma source(%arg10 : memref<128x128xf32, #tpu.memory_space<vmem>>) target(%dma_start3A_221 : memref<32768x128xf32, #tpu.memory_space<hbm>>) offsets(%arg9 : memref<128xi32, #tpu.memory_space<vmem>>) semaphore(%arg18 : memref<!tpu.dma_semaphore, #tpu.memory_space<semaphore_mem>>)
    %dma_start3A_222 = arith.constant 0 : i32
    %dma_start3A_223 = arith.constant 0 : i32
    %dma_start3A_224 = tpu.memref_slice %arg7[%dma_start3A_222, %dma_start3A_223] : memref<32768x256xf32, #tpu.memory_space<hbm>> -> memref<32768x256xf32, #tpu.memory_space<hbm>>
    tpu.enqueue_indirect_dma source(%arg11 : memref<128x256xf32, #tpu.memory_space<vmem>>) target(%dma_start3A_224 : memref<32768x256xf32, #tpu.memory_space<hbm>>) offsets(%arg9 : memref<128xi32, #tpu.memory_space<vmem>>) semaphore(%arg18 : memref<!tpu.dma_semaphore, #tpu.memory_space<semaphore_mem>>)
    %dma_start3A_225 = arith.constant 0 : i32
    %dma_start3A_226 = tpu.memref_slice %arg8[%dma_start3A_225] : memref<32768xi32, #tpu.memory_space<hbm>> -> memref<32768xi32, #tpu.memory_space<hbm>>
    tpu.enqueue_indirect_dma source(%arg12 : memref<128xi32, #tpu.memory_space<vmem>>) target(%dma_start3A_226 : memref<32768xi32, #tpu.memory_space<hbm>>) offsets(%arg9 : memref<128xi32, #tpu.memory_space<vmem>>) semaphore(%arg18 : memref<!tpu.dma_semaphore, #tpu.memory_space<semaphore_mem>>)
    %dma_wait3A_227 = arith.constant 0 : i32
    %dma_wait3A_228 = arith.constant 0 : i32
    %dma_wait3A_229 = tpu.memref_slice %arg6[%dma_wait3A_227, %dma_wait3A_228] : memref<32768x128xf32, #tpu.memory_space<hbm>> -> memref<32768x128xf32, #tpu.memory_space<hbm>>
    tpu.wait_indirect_dma semaphore(%arg18 : memref<!tpu.dma_semaphore, #tpu.memory_space<semaphore_mem>>) src(%arg10 : memref<128x128xf32, #tpu.memory_space<vmem>>) dst(%dma_wait3A_229 : memref<32768x128xf32, #tpu.memory_space<hbm>>)
    %dma_wait3A_230 = arith.constant 0 : i32
    %dma_wait3A_231 = arith.constant 0 : i32
    %dma_wait3A_232 = tpu.memref_slice %arg7[%dma_wait3A_230, %dma_wait3A_231] : memref<32768x256xf32, #tpu.memory_space<hbm>> -> memref<32768x256xf32, #tpu.memory_space<hbm>>
    tpu.wait_indirect_dma semaphore(%arg18 : memref<!tpu.dma_semaphore, #tpu.memory_space<semaphore_mem>>) src(%arg11 : memref<128x256xf32, #tpu.memory_space<vmem>>) dst(%dma_wait3A_232 : memref<32768x256xf32, #tpu.memory_space<hbm>>)
    %dma_wait3A_233 = arith.constant 0 : i32
    %dma_wait3A_234 = tpu.memref_slice %arg8[%dma_wait3A_233] : memref<32768xi32, #tpu.memory_space<hbm>> -> memref<32768xi32, #tpu.memory_space<hbm>>
    tpu.wait_indirect_dma semaphore(%arg18 : memref<!tpu.dma_semaphore, #tpu.memory_space<semaphore_mem>>) src(%arg12 : memref<128xi32, #tpu.memory_space<vmem>>) dst(%dma_wait3A_234 : memref<32768xi32, #tpu.memory_space<hbm>>)
    %mul3A_235 = arith.constant 1024 : i32
    %mul3A_236 = arith.muli %add3A, %mul3A_235 : i32
    %add3A_237 = arith.constant 768 : i32
    %add3A_238 = arith.addi %mul3A_236, %add3A_237 : i32
    %dma_start3A_239 = tpu.memref_slice %arg2[%add3A_238] : memref<32768xi32, #tpu.memory_space<hbm>> -> memref<128xi32, #tpu.memory_space<hbm>>
    %dma_start3A_240 = tpu.memref_slice %arg2[%add3A_238] : memref<32768xi32, #tpu.memory_space<hbm>> -> memref<128xi32, #tpu.memory_space<hbm>>
    tpu.enqueue_dma source(%dma_start3A_240 : memref<128xi32, #tpu.memory_space<hbm>>) target(%arg9 : memref<128xi32, #tpu.memory_space<vmem>>) target_semaphore(%arg17 : memref<!tpu.dma_semaphore, #tpu.memory_space<semaphore_mem>>)
    %dma_start3A_241 = arith.constant 0 : i32
    %dma_start3A_242 = tpu.memref_slice %arg3[%add3A_238, %dma_start3A_241] : memref<32768x128xf32, #tpu.memory_space<hbm>> -> memref<128x128xf32, #tpu.memory_space<hbm>>
    %dma_start3A_243 = arith.constant 0 : i32
    %dma_start3A_244 = tpu.memref_slice %arg3[%add3A_238, %dma_start3A_243] : memref<32768x128xf32, #tpu.memory_space<hbm>> -> memref<128x128xf32, #tpu.memory_space<hbm>>
    tpu.enqueue_dma source(%dma_start3A_244 : memref<128x128xf32, #tpu.memory_space<hbm>>) target(%arg10 : memref<128x128xf32, #tpu.memory_space<vmem>>) target_semaphore(%arg17 : memref<!tpu.dma_semaphore, #tpu.memory_space<semaphore_mem>>)
    %dma_start3A_245 = arith.constant 0 : i32
    %dma_start3A_246 = tpu.memref_slice %arg4[%add3A_238, %dma_start3A_245] : memref<32768x256xf32, #tpu.memory_space<hbm>> -> memref<128x256xf32, #tpu.memory_space<hbm>>
    %dma_start3A_247 = arith.constant 0 : i32
    %dma_start3A_248 = tpu.memref_slice %arg4[%add3A_238, %dma_start3A_247] : memref<32768x256xf32, #tpu.memory_space<hbm>> -> memref<128x256xf32, #tpu.memory_space<hbm>>
    tpu.enqueue_dma source(%dma_start3A_248 : memref<128x256xf32, #tpu.memory_space<hbm>>) target(%arg11 : memref<128x256xf32, #tpu.memory_space<vmem>>) target_semaphore(%arg17 : memref<!tpu.dma_semaphore, #tpu.memory_space<semaphore_mem>>)
    %dma_start3A_249 = tpu.memref_slice %arg5[%add3A_238] : memref<32768xi32, #tpu.memory_space<hbm>> -> memref<128xi32, #tpu.memory_space<hbm>>
    %dma_start3A_250 = tpu.memref_slice %arg5[%add3A_238] : memref<32768xi32, #tpu.memory_space<hbm>> -> memref<128xi32, #tpu.memory_space<hbm>>
    tpu.enqueue_dma source(%dma_start3A_250 : memref<128xi32, #tpu.memory_space<hbm>>) target(%arg12 : memref<128xi32, #tpu.memory_space<vmem>>) target_semaphore(%arg17 : memref<!tpu.dma_semaphore, #tpu.memory_space<semaphore_mem>>)
    %dma_wait3A_251 = tpu.memref_slice %arg2[%add3A_194] : memref<32768xi32, #tpu.memory_space<hbm>> -> memref<128xi32, #tpu.memory_space<hbm>>
    %dma_wait3A_252 = tpu.memref_slice %arg2[%add3A_194] : memref<32768xi32, #tpu.memory_space<hbm>> -> memref<128xi32, #tpu.memory_space<hbm>>
    tpu.wait_dma2 semaphore(%arg17 : memref<!tpu.dma_semaphore, #tpu.memory_space<semaphore_mem>>) src(%dma_wait3A_252 : memref<128xi32, #tpu.memory_space<hbm>>) dst(%arg13 : memref<128xi32, #tpu.memory_space<vmem>>)
    %dma_wait3A_253 = arith.constant 0 : i32
    %dma_wait3A_254 = tpu.memref_slice %arg3[%add3A_194, %dma_wait3A_253] : memref<32768x128xf32, #tpu.memory_space<hbm>> -> memref<128x128xf32, #tpu.memory_space<hbm>>
    %dma_wait3A_255 = arith.constant 0 : i32
    %dma_wait3A_256 = tpu.memref_slice %arg3[%add3A_194, %dma_wait3A_255] : memref<32768x128xf32, #tpu.memory_space<hbm>> -> memref<128x128xf32, #tpu.memory_space<hbm>>
    tpu.wait_dma2 semaphore(%arg17 : memref<!tpu.dma_semaphore, #tpu.memory_space<semaphore_mem>>) src(%dma_wait3A_256 : memref<128x128xf32, #tpu.memory_space<hbm>>) dst(%arg14 : memref<128x128xf32, #tpu.memory_space<vmem>>)
    %dma_wait3A_257 = arith.constant 0 : i32
    %dma_wait3A_258 = tpu.memref_slice %arg4[%add3A_194, %dma_wait3A_257] : memref<32768x256xf32, #tpu.memory_space<hbm>> -> memref<128x256xf32, #tpu.memory_space<hbm>>
    %dma_wait3A_259 = arith.constant 0 : i32
    %dma_wait3A_260 = tpu.memref_slice %arg4[%add3A_194, %dma_wait3A_259] : memref<32768x256xf32, #tpu.memory_space<hbm>> -> memref<128x256xf32, #tpu.memory_space<hbm>>
    tpu.wait_dma2 semaphore(%arg17 : memref<!tpu.dma_semaphore, #tpu.memory_space<semaphore_mem>>) src(%dma_wait3A_260 : memref<128x256xf32, #tpu.memory_space<hbm>>) dst(%arg15 : memref<128x256xf32, #tpu.memory_space<vmem>>)
    %dma_wait3A_261 = tpu.memref_slice %arg5[%add3A_194] : memref<32768xi32, #tpu.memory_space<hbm>> -> memref<128xi32, #tpu.memory_space<hbm>>
    %dma_wait3A_262 = tpu.memref_slice %arg5[%add3A_194] : memref<32768xi32, #tpu.memory_space<hbm>> -> memref<128xi32, #tpu.memory_space<hbm>>
    tpu.wait_dma2 semaphore(%arg17 : memref<!tpu.dma_semaphore, #tpu.memory_space<semaphore_mem>>) src(%dma_wait3A_262 : memref<128xi32, #tpu.memory_space<hbm>>) dst(%arg16 : memref<128xi32, #tpu.memory_space<vmem>>)
    %dma_start3A_263 = arith.constant 0 : i32
    %dma_start3A_264 = arith.constant 0 : i32
    %dma_start3A_265 = tpu.memref_slice %arg6[%dma_start3A_263, %dma_start3A_264] : memref<32768x128xf32, #tpu.memory_space<hbm>> -> memref<32768x128xf32, #tpu.memory_space<hbm>>
    tpu.enqueue_indirect_dma source(%arg14 : memref<128x128xf32, #tpu.memory_space<vmem>>) target(%dma_start3A_265 : memref<32768x128xf32, #tpu.memory_space<hbm>>) offsets(%arg13 : memref<128xi32, #tpu.memory_space<vmem>>) semaphore(%arg18 : memref<!tpu.dma_semaphore, #tpu.memory_space<semaphore_mem>>)
    %dma_start3A_266 = arith.constant 0 : i32
    %dma_start3A_267 = arith.constant 0 : i32
    %dma_start3A_268 = tpu.memref_slice %arg7[%dma_start3A_266, %dma_start3A_267] : memref<32768x256xf32, #tpu.memory_space<hbm>> -> memref<32768x256xf32, #tpu.memory_space<hbm>>
    tpu.enqueue_indirect_dma source(%arg15 : memref<128x256xf32, #tpu.memory_space<vmem>>) target(%dma_start3A_268 : memref<32768x256xf32, #tpu.memory_space<hbm>>) offsets(%arg13 : memref<128xi32, #tpu.memory_space<vmem>>) semaphore(%arg18 : memref<!tpu.dma_semaphore, #tpu.memory_space<semaphore_mem>>)
    %dma_start3A_269 = arith.constant 0 : i32
    %dma_start3A_270 = tpu.memref_slice %arg8[%dma_start3A_269] : memref<32768xi32, #tpu.memory_space<hbm>> -> memref<32768xi32, #tpu.memory_space<hbm>>
    tpu.enqueue_indirect_dma source(%arg16 : memref<128xi32, #tpu.memory_space<vmem>>) target(%dma_start3A_270 : memref<32768xi32, #tpu.memory_space<hbm>>) offsets(%arg13 : memref<128xi32, #tpu.memory_space<vmem>>) semaphore(%arg18 : memref<!tpu.dma_semaphore, #tpu.memory_space<semaphore_mem>>)
    %dma_wait3A_271 = arith.constant 0 : i32
    %dma_wait3A_272 = arith.constant 0 : i32
    %dma_wait3A_273 = tpu.memref_slice %arg6[%dma_wait3A_271, %dma_wait3A_272] : memref<32768x128xf32, #tpu.memory_space<hbm>> -> memref<32768x128xf32, #tpu.memory_space<hbm>>
    tpu.wait_indirect_dma semaphore(%arg18 : memref<!tpu.dma_semaphore, #tpu.memory_space<semaphore_mem>>) src(%arg14 : memref<128x128xf32, #tpu.memory_space<vmem>>) dst(%dma_wait3A_273 : memref<32768x128xf32, #tpu.memory_space<hbm>>)
    %dma_wait3A_274 = arith.constant 0 : i32
    %dma_wait3A_275 = arith.constant 0 : i32
    %dma_wait3A_276 = tpu.memref_slice %arg7[%dma_wait3A_274, %dma_wait3A_275] : memref<32768x256xf32, #tpu.memory_space<hbm>> -> memref<32768x256xf32, #tpu.memory_space<hbm>>
    tpu.wait_indirect_dma semaphore(%arg18 : memref<!tpu.dma_semaphore, #tpu.memory_space<semaphore_mem>>) src(%arg15 : memref<128x256xf32, #tpu.memory_space<vmem>>) dst(%dma_wait3A_276 : memref<32768x256xf32, #tpu.memory_space<hbm>>)
    %dma_wait3A_277 = arith.constant 0 : i32
    %dma_wait3A_278 = tpu.memref_slice %arg8[%dma_wait3A_277] : memref<32768xi32, #tpu.memory_space<hbm>> -> memref<32768xi32, #tpu.memory_space<hbm>>
    tpu.wait_indirect_dma semaphore(%arg18 : memref<!tpu.dma_semaphore, #tpu.memory_space<semaphore_mem>>) src(%arg16 : memref<128xi32, #tpu.memory_space<vmem>>) dst(%dma_wait3A_278 : memref<32768xi32, #tpu.memory_space<hbm>>)
    %mul3A_279 = arith.constant 1024 : i32
    %mul3A_280 = arith.muli %add3A, %mul3A_279 : i32
    %add3A_281 = arith.constant 896 : i32
    %add3A_282 = arith.addi %mul3A_280, %add3A_281 : i32
    %dma_start3A_283 = tpu.memref_slice %arg2[%add3A_282] : memref<32768xi32, #tpu.memory_space<hbm>> -> memref<128xi32, #tpu.memory_space<hbm>>
    %dma_start3A_284 = tpu.memref_slice %arg2[%add3A_282] : memref<32768xi32, #tpu.memory_space<hbm>> -> memref<128xi32, #tpu.memory_space<hbm>>
    tpu.enqueue_dma source(%dma_start3A_284 : memref<128xi32, #tpu.memory_space<hbm>>) target(%arg13 : memref<128xi32, #tpu.memory_space<vmem>>) target_semaphore(%arg17 : memref<!tpu.dma_semaphore, #tpu.memory_space<semaphore_mem>>)
    %dma_start3A_285 = arith.constant 0 : i32
    %dma_start3A_286 = tpu.memref_slice %arg3[%add3A_282, %dma_start3A_285] : memref<32768x128xf32, #tpu.memory_space<hbm>> -> memref<128x128xf32, #tpu.memory_space<hbm>>
    %dma_start3A_287 = arith.constant 0 : i32
    %dma_start3A_288 = tpu.memref_slice %arg3[%add3A_282, %dma_start3A_287] : memref<32768x128xf32, #tpu.memory_space<hbm>> -> memref<128x128xf32, #tpu.memory_space<hbm>>
    tpu.enqueue_dma source(%dma_start3A_288 : memref<128x128xf32, #tpu.memory_space<hbm>>) target(%arg14 : memref<128x128xf32, #tpu.memory_space<vmem>>) target_semaphore(%arg17 : memref<!tpu.dma_semaphore, #tpu.memory_space<semaphore_mem>>)
    %dma_start3A_289 = arith.constant 0 : i32
    %dma_start3A_290 = tpu.memref_slice %arg4[%add3A_282, %dma_start3A_289] : memref<32768x256xf32, #tpu.memory_space<hbm>> -> memref<128x256xf32, #tpu.memory_space<hbm>>
    %dma_start3A_291 = arith.constant 0 : i32
    %dma_start3A_292 = tpu.memref_slice %arg4[%add3A_282, %dma_start3A_291] : memref<32768x256xf32, #tpu.memory_space<hbm>> -> memref<128x256xf32, #tpu.memory_space<hbm>>
    tpu.enqueue_dma source(%dma_start3A_292 : memref<128x256xf32, #tpu.memory_space<hbm>>) target(%arg15 : memref<128x256xf32, #tpu.memory_space<vmem>>) target_semaphore(%arg17 : memref<!tpu.dma_semaphore, #tpu.memory_space<semaphore_mem>>)
    %dma_start3A_293 = tpu.memref_slice %arg5[%add3A_282] : memref<32768xi32, #tpu.memory_space<hbm>> -> memref<128xi32, #tpu.memory_space<hbm>>
    %dma_start3A_294 = tpu.memref_slice %arg5[%add3A_282] : memref<32768xi32, #tpu.memory_space<hbm>> -> memref<128xi32, #tpu.memory_space<hbm>>
    tpu.enqueue_dma source(%dma_start3A_294 : memref<128xi32, #tpu.memory_space<hbm>>) target(%arg16 : memref<128xi32, #tpu.memory_space<vmem>>) target_semaphore(%arg17 : memref<!tpu.dma_semaphore, #tpu.memory_space<semaphore_mem>>)
    %dma_wait3A_295 = tpu.memref_slice %arg2[%add3A_238] : memref<32768xi32, #tpu.memory_space<hbm>> -> memref<128xi32, #tpu.memory_space<hbm>>
    %dma_wait3A_296 = tpu.memref_slice %arg2[%add3A_238] : memref<32768xi32, #tpu.memory_space<hbm>> -> memref<128xi32, #tpu.memory_space<hbm>>
    tpu.wait_dma2 semaphore(%arg17 : memref<!tpu.dma_semaphore, #tpu.memory_space<semaphore_mem>>) src(%dma_wait3A_296 : memref<128xi32, #tpu.memory_space<hbm>>) dst(%arg9 : memref<128xi32, #tpu.memory_space<vmem>>)
    %dma_wait3A_297 = arith.constant 0 : i32
    %dma_wait3A_298 = tpu.memref_slice %arg3[%add3A_238, %dma_wait3A_297] : memref<32768x128xf32, #tpu.memory_space<hbm>> -> memref<128x128xf32, #tpu.memory_space<hbm>>
    %dma_wait3A_299 = arith.constant 0 : i32
    %dma_wait3A_300 = tpu.memref_slice %arg3[%add3A_238, %dma_wait3A_299] : memref<32768x128xf32, #tpu.memory_space<hbm>> -> memref<128x128xf32, #tpu.memory_space<hbm>>
    tpu.wait_dma2 semaphore(%arg17 : memref<!tpu.dma_semaphore, #tpu.memory_space<semaphore_mem>>) src(%dma_wait3A_300 : memref<128x128xf32, #tpu.memory_space<hbm>>) dst(%arg10 : memref<128x128xf32, #tpu.memory_space<vmem>>)
    %dma_wait3A_301 = arith.constant 0 : i32
    %dma_wait3A_302 = tpu.memref_slice %arg4[%add3A_238, %dma_wait3A_301] : memref<32768x256xf32, #tpu.memory_space<hbm>> -> memref<128x256xf32, #tpu.memory_space<hbm>>
    %dma_wait3A_303 = arith.constant 0 : i32
    %dma_wait3A_304 = tpu.memref_slice %arg4[%add3A_238, %dma_wait3A_303] : memref<32768x256xf32, #tpu.memory_space<hbm>> -> memref<128x256xf32, #tpu.memory_space<hbm>>
    tpu.wait_dma2 semaphore(%arg17 : memref<!tpu.dma_semaphore, #tpu.memory_space<semaphore_mem>>) src(%dma_wait3A_304 : memref<128x256xf32, #tpu.memory_space<hbm>>) dst(%arg11 : memref<128x256xf32, #tpu.memory_space<vmem>>)
    %dma_wait3A_305 = tpu.memref_slice %arg5[%add3A_238] : memref<32768xi32, #tpu.memory_space<hbm>> -> memref<128xi32, #tpu.memory_space<hbm>>
    %dma_wait3A_306 = tpu.memref_slice %arg5[%add3A_238] : memref<32768xi32, #tpu.memory_space<hbm>> -> memref<128xi32, #tpu.memory_space<hbm>>
    tpu.wait_dma2 semaphore(%arg17 : memref<!tpu.dma_semaphore, #tpu.memory_space<semaphore_mem>>) src(%dma_wait3A_306 : memref<128xi32, #tpu.memory_space<hbm>>) dst(%arg12 : memref<128xi32, #tpu.memory_space<vmem>>)
    %dma_start3A_307 = arith.constant 0 : i32
    %dma_start3A_308 = arith.constant 0 : i32
    %dma_start3A_309 = tpu.memref_slice %arg6[%dma_start3A_307, %dma_start3A_308] : memref<32768x128xf32, #tpu.memory_space<hbm>> -> memref<32768x128xf32, #tpu.memory_space<hbm>>
    tpu.enqueue_indirect_dma source(%arg10 : memref<128x128xf32, #tpu.memory_space<vmem>>) target(%dma_start3A_309 : memref<32768x128xf32, #tpu.memory_space<hbm>>) offsets(%arg9 : memref<128xi32, #tpu.memory_space<vmem>>) semaphore(%arg18 : memref<!tpu.dma_semaphore, #tpu.memory_space<semaphore_mem>>)
    %dma_start3A_310 = arith.constant 0 : i32
    %dma_start3A_311 = arith.constant 0 : i32
    %dma_start3A_312 = tpu.memref_slice %arg7[%dma_start3A_310, %dma_start3A_311] : memref<32768x256xf32, #tpu.memory_space<hbm>> -> memref<32768x256xf32, #tpu.memory_space<hbm>>
    tpu.enqueue_indirect_dma source(%arg11 : memref<128x256xf32, #tpu.memory_space<vmem>>) target(%dma_start3A_312 : memref<32768x256xf32, #tpu.memory_space<hbm>>) offsets(%arg9 : memref<128xi32, #tpu.memory_space<vmem>>) semaphore(%arg18 : memref<!tpu.dma_semaphore, #tpu.memory_space<semaphore_mem>>)
    %dma_start3A_313 = arith.constant 0 : i32
    %dma_start3A_314 = tpu.memref_slice %arg8[%dma_start3A_313] : memref<32768xi32, #tpu.memory_space<hbm>> -> memref<32768xi32, #tpu.memory_space<hbm>>
    tpu.enqueue_indirect_dma source(%arg12 : memref<128xi32, #tpu.memory_space<vmem>>) target(%dma_start3A_314 : memref<32768xi32, #tpu.memory_space<hbm>>) offsets(%arg9 : memref<128xi32, #tpu.memory_space<vmem>>) semaphore(%arg18 : memref<!tpu.dma_semaphore, #tpu.memory_space<semaphore_mem>>)
    %dma_wait3A_315 = tpu.memref_slice %arg2[%add3A_282] : memref<32768xi32, #tpu.memory_space<hbm>> -> memref<128xi32, #tpu.memory_space<hbm>>
    %dma_wait3A_316 = tpu.memref_slice %arg2[%add3A_282] : memref<32768xi32, #tpu.memory_space<hbm>> -> memref<128xi32, #tpu.memory_space<hbm>>
    tpu.wait_dma2 semaphore(%arg17 : memref<!tpu.dma_semaphore, #tpu.memory_space<semaphore_mem>>) src(%dma_wait3A_316 : memref<128xi32, #tpu.memory_space<hbm>>) dst(%arg13 : memref<128xi32, #tpu.memory_space<vmem>>)
    %dma_wait3A_317 = arith.constant 0 : i32
    %dma_wait3A_318 = tpu.memref_slice %arg3[%add3A_282, %dma_wait3A_317] : memref<32768x128xf32, #tpu.memory_space<hbm>> -> memref<128x128xf32, #tpu.memory_space<hbm>>
    %dma_wait3A_319 = arith.constant 0 : i32
    %dma_wait3A_320 = tpu.memref_slice %arg3[%add3A_282, %dma_wait3A_319] : memref<32768x128xf32, #tpu.memory_space<hbm>> -> memref<128x128xf32, #tpu.memory_space<hbm>>
    tpu.wait_dma2 semaphore(%arg17 : memref<!tpu.dma_semaphore, #tpu.memory_space<semaphore_mem>>) src(%dma_wait3A_320 : memref<128x128xf32, #tpu.memory_space<hbm>>) dst(%arg14 : memref<128x128xf32, #tpu.memory_space<vmem>>)
    %dma_wait3A_321 = arith.constant 0 : i32
    %dma_wait3A_322 = tpu.memref_slice %arg4[%add3A_282, %dma_wait3A_321] : memref<32768x256xf32, #tpu.memory_space<hbm>> -> memref<128x256xf32, #tpu.memory_space<hbm>>
    %dma_wait3A_323 = arith.constant 0 : i32
    %dma_wait3A_324 = tpu.memref_slice %arg4[%add3A_282, %dma_wait3A_323] : memref<32768x256xf32, #tpu.memory_space<hbm>> -> memref<128x256xf32, #tpu.memory_space<hbm>>
    tpu.wait_dma2 semaphore(%arg17 : memref<!tpu.dma_semaphore, #tpu.memory_space<semaphore_mem>>) src(%dma_wait3A_324 : memref<128x256xf32, #tpu.memory_space<hbm>>) dst(%arg15 : memref<128x256xf32, #tpu.memory_space<vmem>>)
    %dma_wait3A_325 = tpu.memref_slice %arg5[%add3A_282] : memref<32768xi32, #tpu.memory_space<hbm>> -> memref<128xi32, #tpu.memory_space<hbm>>
    %dma_wait3A_326 = tpu.memref_slice %arg5[%add3A_282] : memref<32768xi32, #tpu.memory_space<hbm>> -> memref<128xi32, #tpu.memory_space<hbm>>
    tpu.wait_dma2 semaphore(%arg17 : memref<!tpu.dma_semaphore, #tpu.memory_space<semaphore_mem>>) src(%dma_wait3A_326 : memref<128xi32, #tpu.memory_space<hbm>>) dst(%arg16 : memref<128xi32, #tpu.memory_space<vmem>>)
    %dma_start3A_327 = arith.constant 0 : i32
    %dma_start3A_328 = arith.constant 0 : i32
    %dma_start3A_329 = tpu.memref_slice %arg6[%dma_start3A_327, %dma_start3A_328] : memref<32768x128xf32, #tpu.memory_space<hbm>> -> memref<32768x128xf32, #tpu.memory_space<hbm>>
    tpu.enqueue_indirect_dma source(%arg14 : memref<128x128xf32, #tpu.memory_space<vmem>>) target(%dma_start3A_329 : memref<32768x128xf32, #tpu.memory_space<hbm>>) offsets(%arg13 : memref<128xi32, #tpu.memory_space<vmem>>) semaphore(%arg18 : memref<!tpu.dma_semaphore, #tpu.memory_space<semaphore_mem>>)
    %dma_start3A_330 = arith.constant 0 : i32
    %dma_start3A_331 = arith.constant 0 : i32
    %dma_start3A_332 = tpu.memref_slice %arg7[%dma_start3A_330, %dma_start3A_331] : memref<32768x256xf32, #tpu.memory_space<hbm>> -> memref<32768x256xf32, #tpu.memory_space<hbm>>
    tpu.enqueue_indirect_dma source(%arg15 : memref<128x256xf32, #tpu.memory_space<vmem>>) target(%dma_start3A_332 : memref<32768x256xf32, #tpu.memory_space<hbm>>) offsets(%arg13 : memref<128xi32, #tpu.memory_space<vmem>>) semaphore(%arg18 : memref<!tpu.dma_semaphore, #tpu.memory_space<semaphore_mem>>)
    %dma_start3A_333 = arith.constant 0 : i32
    %dma_start3A_334 = tpu.memref_slice %arg8[%dma_start3A_333] : memref<32768xi32, #tpu.memory_space<hbm>> -> memref<32768xi32, #tpu.memory_space<hbm>>
    tpu.enqueue_indirect_dma source(%arg16 : memref<128xi32, #tpu.memory_space<vmem>>) target(%dma_start3A_334 : memref<32768xi32, #tpu.memory_space<hbm>>) offsets(%arg13 : memref<128xi32, #tpu.memory_space<vmem>>) semaphore(%arg18 : memref<!tpu.dma_semaphore, #tpu.memory_space<semaphore_mem>>)
    %dma_wait3A_335 = arith.constant 0 : i32
    %dma_wait3A_336 = arith.constant 0 : i32
    %dma_wait3A_337 = tpu.memref_slice %arg6[%dma_wait3A_335, %dma_wait3A_336] : memref<32768x128xf32, #tpu.memory_space<hbm>> -> memref<32768x128xf32, #tpu.memory_space<hbm>>
    tpu.wait_indirect_dma semaphore(%arg18 : memref<!tpu.dma_semaphore, #tpu.memory_space<semaphore_mem>>) src(%arg10 : memref<128x128xf32, #tpu.memory_space<vmem>>) dst(%dma_wait3A_337 : memref<32768x128xf32, #tpu.memory_space<hbm>>)
    %dma_wait3A_338 = arith.constant 0 : i32
    %dma_wait3A_339 = arith.constant 0 : i32
    %dma_wait3A_340 = tpu.memref_slice %arg7[%dma_wait3A_338, %dma_wait3A_339] : memref<32768x256xf32, #tpu.memory_space<hbm>> -> memref<32768x256xf32, #tpu.memory_space<hbm>>
    tpu.wait_indirect_dma semaphore(%arg18 : memref<!tpu.dma_semaphore, #tpu.memory_space<semaphore_mem>>) src(%arg11 : memref<128x256xf32, #tpu.memory_space<vmem>>) dst(%dma_wait3A_340 : memref<32768x256xf32, #tpu.memory_space<hbm>>)
    %dma_wait3A_341 = arith.constant 0 : i32
    %dma_wait3A_342 = tpu.memref_slice %arg8[%dma_wait3A_341] : memref<32768xi32, #tpu.memory_space<hbm>> -> memref<32768xi32, #tpu.memory_space<hbm>>
    tpu.wait_indirect_dma semaphore(%arg18 : memref<!tpu.dma_semaphore, #tpu.memory_space<semaphore_mem>>) src(%arg12 : memref<128xi32, #tpu.memory_space<vmem>>) dst(%dma_wait3A_342 : memref<32768xi32, #tpu.memory_space<hbm>>)
    %dma_wait3A_343 = arith.constant 0 : i32
    %dma_wait3A_344 = arith.constant 0 : i32
    %dma_wait3A_345 = tpu.memref_slice %arg6[%dma_wait3A_343, %dma_wait3A_344] : memref<32768x128xf32, #tpu.memory_space<hbm>> -> memref<32768x128xf32, #tpu.memory_space<hbm>>
    tpu.wait_indirect_dma semaphore(%arg18 : memref<!tpu.dma_semaphore, #tpu.memory_space<semaphore_mem>>) src(%arg14 : memref<128x128xf32, #tpu.memory_space<vmem>>) dst(%dma_wait3A_345 : memref<32768x128xf32, #tpu.memory_space<hbm>>)
    %dma_wait3A_346 = arith.constant 0 : i32
    %dma_wait3A_347 = arith.constant 0 : i32
    %dma_wait3A_348 = tpu.memref_slice %arg7[%dma_wait3A_346, %dma_wait3A_347] : memref<32768x256xf32, #tpu.memory_space<hbm>> -> memref<32768x256xf32, #tpu.memory_space<hbm>>
    tpu.wait_indirect_dma semaphore(%arg18 : memref<!tpu.dma_semaphore, #tpu.memory_space<semaphore_mem>>) src(%arg15 : memref<128x256xf32, #tpu.memory_space<vmem>>) dst(%dma_wait3A_348 : memref<32768x256xf32, #tpu.memory_space<hbm>>)
    %dma_wait3A_349 = arith.constant 0 : i32
    %dma_wait3A_350 = tpu.memref_slice %arg8[%dma_wait3A_349] : memref<32768xi32, #tpu.memory_space<hbm>> -> memref<32768xi32, #tpu.memory_space<hbm>>
    tpu.wait_indirect_dma semaphore(%arg18 : memref<!tpu.dma_semaphore, #tpu.memory_space<semaphore_mem>>) src(%arg16 : memref<128xi32, #tpu.memory_space<vmem>>) dst(%dma_wait3A_350 : memref<32768xi32, #tpu.memory_space<hbm>>)
    return
  }
}

module attributes {stable_mosaic.version = 14 : i64} {
  func.func @_bin_body(%arg0: i32, %arg1: i32, %arg2: memref<1x512x128xf32, #tpu.memory_space<vmem>>, %arg3: memref<128x32xf32, #tpu.memory_space<vmem>>, %arg4: memref<1x512x1xf32, #tpu.memory_space<vmem>>, %arg5: memref<1x512x1xf32, #tpu.memory_space<vmem>>, %arg6: memref<1x512x1xf32, #tpu.memory_space<vmem>>, %arg7: memref<1x1x128xf32, #tpu.memory_space<vmem>>) attributes {dimension_semantics = [#tpu.dimension_semantics<arbitrary>, #tpu.dimension_semantics<arbitrary>], iteration_bounds = array<i64: 4, 16>, scalar_prefetch = 0 : i64, scratch_operands = 0 : i64, tpu.core_type = #tpu.core_type<tc>, window_params = [{transform_indices = @transform_0, window_bounds = array<i64: 1, 512, 128>}, {pipeline_mode = #tpu.pipeline_mode<synchronous>, transform_indices = @transform_1, window_bounds = array<i64: 128, 32>}, {transform_indices = @transform_2, window_bounds = array<i64: 1, 512, 1>}, {transform_indices = @transform_3, window_bounds = array<i64: 1, 512, 1>}, {transform_indices = @transform_4, window_bounds = array<i64: 1, 512, 1>}, {transform_indices = @transform_5, window_bounds = array<i64: 1, 1, 128>}]} {
    %get3A = arith.constant 0 : index
    %get3A_0 = arith.constant 0 : index
    %get3A_1 = arith.constant 0 : index
    %get3A_2 = vector.load %arg2[%get3A, %get3A_0, %get3A_1] : memref<1x512x128xf32, #tpu.memory_space<vmem>>, vector<1x512x128xf32>
    %get3A_3 = vector.shape_cast %get3A_2 : vector<1x512x128xf32> to vector<512x128xf32>
    %get3A_4 = arith.constant 0 : index
    %get3A_5 = arith.constant 0 : index
    %get3A_6 = vector.load %arg3[%get3A_4, %get3A_5] : memref<128x32xf32, #tpu.memory_space<vmem>>, vector<128x32xf32>
    %dot_general3A = arith.constant dense<0.000000e+00> : vector<512x32xf32>
    %dot_general3A_7 = tpu.matmul %get3A_3, %get3A_6, %dot_general3A {dimension_numbers = #tpu.dot_dimension_numbers<[1], [0], [0], [1], [0, 0, 1, 1], [], []>, transpose_lhs_hint = false} : vector<512x128xf32>, vector<128x32xf32>, vector<512x32xf32> -> vector<512x32xf32>
    %neg3A = arith.constant 0.000000e+00 : f32
    %neg3A_8 = vector.broadcast %neg3A : f32 to vector<512x32xf32>
    %neg3A_9 = arith.subf %neg3A_8, %dot_general3A_7 : vector<512x32xf32>
    %concatenate3A = tpu.concatenate %dot_general3A_7, %neg3A_9 in 1 : vector<512x32xf32>, vector<512x32xf32> -> vector<512x64xf32>
    %reduce_max3A = arith.constant dense<0xFF800000> : vector<512xf32>
    %reduce_max3A_10 = vector.multi_reduction <maximumf>, %concatenate3A, %reduce_max3A [1] : vector<512x64xf32> to vector<512xf32>
    %broadcast_in_dim3A = vector.shape_cast %reduce_max3A_10 : vector<512xf32> to vector<512x1xf32>
    %iota3A = tpu.iota {dimensions = array<i32: 1>} : vector<512x64xi32>
    %convert_element_type3A = arith.sitofp %iota3A : vector<512x64xi32> to vector<512x64xf32>
    %eq3A = vector.broadcast %broadcast_in_dim3A : vector<512x1xf32> to vector<512x64xf32>
    %eq3A_11 = arith.cmpf oeq, %concatenate3A, %eq3A : vector<512x64xf32>
    %jit3A = arith.constant 6.400000e+01 : f32
    %broadcast_in_dim3A_12 = vector.broadcast %jit3A : f32 to vector<512x64xf32>
    %select_n3A = arith.select %eq3A_11, %convert_element_type3A, %broadcast_in_dim3A_12 : vector<512x64xi1>, vector<512x64xf32>
    %reduce_min3A = arith.constant dense<0x7F800000> : vector<512xf32>
    %reduce_min3A_13 = vector.multi_reduction <minimumf>, %select_n3A, %reduce_min3A [1] : vector<512x64xf32> to vector<512xf32>
    %broadcast_in_dim3A_14 = vector.shape_cast %reduce_min3A_13 : vector<512xf32> to vector<512x1xf32>
    %get3A_15 = arith.constant 0 : index
    %get3A_16 = arith.constant 0 : index
    %get3A_17 = arith.constant 0 : index
    %get3A_18 = vector.load %arg4[%get3A_15, %get3A_16, %get3A_17] : memref<1x512x1xf32, #tpu.memory_space<vmem>>, vector<1x512x1xf32>
    %get3A_19 = vector.shape_cast %get3A_18 : vector<1x512x1xf32> to vector<512x1xf32>
    %sub3A = arith.constant 1.000000e+00 : f32
    %sub3A_20 = vector.broadcast %sub3A : f32 to vector<512x1xf32>
    %sub3A_21 = arith.subf %sub3A_20, %get3A_19 : vector<512x1xf32>
    %mul3A = arith.constant 6.300000e+01 : f32
    %mul3A_22 = vector.broadcast %mul3A : f32 to vector<512x1xf32>
    %mul3A_23 = arith.mulf %sub3A_21, %mul3A_22 : vector<512x1xf32>
    %add3A = arith.addf %broadcast_in_dim3A_14, %mul3A_23 : vector<512x1xf32>
    %iota3A_24 = tpu.iota {dimensions = array<i32: 1>} : vector<512x128xi32>
    %convert_element_type3A_25 = arith.sitofp %iota3A_24 : vector<512x128xi32> to vector<512x128xf32>
    %eq3A_26 = vector.broadcast %add3A : vector<512x1xf32> to vector<512x128xf32>
    %eq3A_27 = arith.cmpf oeq, %convert_element_type3A_25, %eq3A_26 : vector<512x128xf32>
    %convert_element_type3A_28 = arith.extui %eq3A_27 : vector<512x128xi1> to vector<512x128xi32>
    %convert_element_type3A_29 = arith.sitofp %convert_element_type3A_28 : vector<512x128xi32> to vector<512x128xf32>
    %reduce_sum3A = arith.constant dense<0.000000e+00> : vector<128xf32>
    %reduce_sum3A_30 = vector.multi_reduction <add>, %convert_element_type3A_29, %reduce_sum3A [0] : vector<512x128xf32> to vector<128xf32>
    %broadcast_in_dim3A_31 = vector.shape_cast %reduce_sum3A_30 : vector<128xf32> to vector<1x128xf32>
    %swap3A = arith.constant 0 : index
    %swap3A_32 = arith.constant 0 : index
    %swap3A_33 = arith.constant 0 : index
    %swap3A_34 = vector.load %arg7[%swap3A, %swap3A_32, %swap3A_33] : memref<1x1x128xf32, #tpu.memory_space<vmem>>, vector<1x1x128xf32>
    %swap3A_35 = vector.shape_cast %swap3A_34 : vector<1x1x128xf32> to vector<1x128xf32>
    %swap3A_36 = vector.shape_cast %broadcast_in_dim3A_31 : vector<1x128xf32> to vector<1x1x128xf32>
    tpu.vector_store %arg7[%swap3A, %swap3A_32, %swap3A_33], %swap3A_36 {strides = array<i32>} : memref<1x1x128xf32, #tpu.memory_space<vmem>>, vector<1x1x128xf32>,
    %iota3A_37 = tpu.iota {dimensions = array<i32: 0>} : vector<512x512xi32>
    %convert_element_type3A_38 = arith.sitofp %iota3A_37 : vector<512x512xi32> to vector<512x512xf32>
    %iota3A_39 = tpu.iota {dimensions = array<i32: 1>} : vector<512x512xi32>
    %convert_element_type3A_40 = arith.sitofp %iota3A_39 : vector<512x512xi32> to vector<512x512xf32>
    %lt3A = arith.cmpf olt, %convert_element_type3A_40, %convert_element_type3A_38 : vector<512x512xf32>
    %convert_element_type3A_41 = arith.extui %lt3A : vector<512x512xi1> to vector<512x512xi32>
    %convert_element_type3A_42 = arith.sitofp %convert_element_type3A_41 : vector<512x512xi32> to vector<512x512xf32>
    %dot_general3A_43 = arith.constant dense<0.000000e+00> : vector<512x128xf32>
    %dot_general3A_44 = tpu.matmul %convert_element_type3A_42, %convert_element_type3A_29, %dot_general3A_43 {dimension_numbers = #tpu.dot_dimension_numbers<[1], [0], [0], [1], [0, 0, 1, 1], [], []>, transpose_lhs_hint = false} : vector<512x512xf32>, vector<512x128xf32>, vector<512x128xf32> -> vector<512x128xf32>
    %mul3A_45 = arith.mulf %dot_general3A_44, %convert_element_type3A_29 : vector<512x128xf32>
    %reduce_sum3A_46 = arith.constant dense<0.000000e+00> : vector<512xf32>
    %reduce_sum3A_47 = vector.multi_reduction <add>, %mul3A_45, %reduce_sum3A_46 [1] : vector<512x128xf32> to vector<512xf32>
    %broadcast_in_dim3A_48 = vector.shape_cast %reduce_sum3A_47 : vector<512xf32> to vector<512x1xf32>
    %swap3A_49 = arith.constant 0 : index
    %swap3A_50 = arith.constant 0 : index
    %swap3A_51 = arith.constant 0 : index
    %swap3A_52 = vector.load %arg6[%swap3A_49, %swap3A_50, %swap3A_51] : memref<1x512x1xf32, #tpu.memory_space<vmem>>, vector<1x512x1xf32>
    %swap3A_53 = vector.shape_cast %swap3A_52 : vector<1x512x1xf32> to vector<512x1xf32>
    %swap3A_54 = vector.shape_cast %broadcast_in_dim3A_48 : vector<512x1xf32> to vector<1x512x1xf32>
    tpu.vector_store %arg6[%swap3A_49, %swap3A_50, %swap3A_51], %swap3A_54 {strides = array<i32>} : memref<1x512x1xf32, #tpu.memory_space<vmem>>, vector<1x512x1xf32>,
    %swap3A_55 = arith.constant 0 : index
    %swap3A_56 = arith.constant 0 : index
    %swap3A_57 = arith.constant 0 : index
    %swap3A_58 = vector.load %arg5[%swap3A_55, %swap3A_56, %swap3A_57] : memref<1x512x1xf32, #tpu.memory_space<vmem>>, vector<1x512x1xf32>
    %swap3A_59 = vector.shape_cast %swap3A_58 : vector<1x512x1xf32> to vector<512x1xf32>
    %swap3A_60 = vector.shape_cast %add3A : vector<512x1xf32> to vector<1x512x1xf32>
    tpu.vector_store %arg5[%swap3A_55, %swap3A_56, %swap3A_57], %swap3A_60 {strides = array<i32>} : memref<1x512x1xf32, #tpu.memory_space<vmem>>, vector<1x512x1xf32>,
    return
  }
  func.func @transform_0(%arg0: i32, %arg1: i32) -> (i32, i32, i32) {
    %c0_i32 = arith.constant 0 : i32
    %c0_i32_0 = arith.constant 0 : i32
    return %arg0, %arg1, %c0_i32 : i32, i32, i32
  }
  func.func @transform_1(%arg0: i32, %arg1: i32) -> (i32, i32) {
    %c0_i32 = arith.constant 0 : i32
    %c0_i32_0 = arith.constant 0 : i32
    %c0_i32_1 = arith.constant 0 : i32
    return %c0_i32, %c0_i32_0 : i32, i32
  }
  func.func @transform_2(%arg0: i32, %arg1: i32) -> (i32, i32, i32) {
    %mul3A = arith.constant 16 : i32
    %mul3A_0 = arith.muli %arg0, %mul3A : i32
    %add3A = arith.addi %mul3A_0, %arg1 : i32
    %c0_i32 = arith.constant 0 : i32
    %c0_i32_1 = arith.constant 0 : i32
    %c0_i32_2 = arith.constant 0 : i32
    return %add3A, %c0_i32, %c0_i32_1 : i32, i32, i32
  }
  func.func @transform_3(%arg0: i32, %arg1: i32) -> (i32, i32, i32) {
    %mul3A = arith.constant 16 : i32
    %mul3A_0 = arith.muli %arg0, %mul3A : i32
    %add3A = arith.addi %mul3A_0, %arg1 : i32
    %c0_i32 = arith.constant 0 : i32
    %c0_i32_1 = arith.constant 0 : i32
    %c0_i32_2 = arith.constant 0 : i32
    return %add3A, %c0_i32, %c0_i32_1 : i32, i32, i32
  }
  func.func @transform_4(%arg0: i32, %arg1: i32) -> (i32, i32, i32) {
    %mul3A = arith.constant 16 : i32
    %mul3A_0 = arith.muli %arg0, %mul3A : i32
    %add3A = arith.addi %mul3A_0, %arg1 : i32
    %c0_i32 = arith.constant 0 : i32
    %c0_i32_1 = arith.constant 0 : i32
    %c0_i32_2 = arith.constant 0 : i32
    return %add3A, %c0_i32, %c0_i32_1 : i32, i32, i32
  }
  func.func @transform_5(%arg0: i32, %arg1: i32) -> (i32, i32, i32) {
    %mul3A = arith.constant 16 : i32
    %mul3A_0 = arith.muli %arg0, %mul3A : i32
    %add3A = arith.addi %mul3A_0, %arg1 : i32
    %c0_i32 = arith.constant 0 : i32
    %c0_i32_1 = arith.constant 0 : i32
    %c0_i32_2 = arith.constant 0 : i32
    return %add3A, %c0_i32, %c0_i32_1 : i32, i32, i32
  }
}

module attributes {stable_mosaic.version = 14 : i64} {
  func.func @_rank_body(%arg0: i32, %arg1: i32, %arg2: memref<1x512x1xf32, #tpu.memory_space<vmem>>, %arg3: memref<1x512x1xf32, #tpu.memory_space<vmem>>, %arg4: memref<1x16x128xf32, #tpu.memory_space<vmem>>, %arg5: memref<1x512x1xi32, #tpu.memory_space<vmem>>) attributes {dimension_semantics = [#tpu.dimension_semantics<arbitrary>, #tpu.dimension_semantics<arbitrary>], iteration_bounds = array<i64: 4, 16>, scalar_prefetch = 0 : i64, scratch_operands = 0 : i64, tpu.core_type = #tpu.core_type<tc>, window_params = [{transform_indices = @transform_0, window_bounds = array<i64: 1, 512, 1>}, {transform_indices = @transform_1, window_bounds = array<i64: 1, 512, 1>}, {transform_indices = @transform_2, window_bounds = array<i64: 1, 16, 128>}, {transform_indices = @transform_3, window_bounds = array<i64: 1, 512, 1>}]} {
    %get3A = arith.constant 0 : index
    %get3A_0 = arith.constant 0 : index
    %get3A_1 = arith.constant 0 : index
    %get3A_2 = vector.load %arg2[%get3A, %get3A_0, %get3A_1] : memref<1x512x1xf32, #tpu.memory_space<vmem>>, vector<1x512x1xf32>
    %get3A_3 = vector.shape_cast %get3A_2 : vector<1x512x1xf32> to vector<512x1xf32>
    %get3A_4 = arith.constant 0 : index
    %get3A_5 = arith.constant 0 : index
    %get3A_6 = arith.constant 0 : index
    %get3A_7 = vector.load %arg3[%get3A_4, %get3A_5, %get3A_6] : memref<1x512x1xf32, #tpu.memory_space<vmem>>, vector<1x512x1xf32>
    %get3A_8 = vector.shape_cast %get3A_7 : vector<1x512x1xf32> to vector<512x1xf32>
    %get3A_9 = arith.constant 0 : index
    %get3A_10 = arith.constant 0 : index
    %get3A_11 = arith.constant 0 : index
    %get3A_12 = vector.load %arg4[%get3A_9, %get3A_10, %get3A_11] : memref<1x16x128xf32, #tpu.memory_space<vmem>>, vector<1x16x128xf32>
    %get3A_13 = vector.shape_cast %get3A_12 : vector<1x16x128xf32> to vector<16x128xf32>
    %iota3A = tpu.iota {dimensions = array<i32: 0>} : vector<16x128xi32>
    %convert_element_type3A = arith.sitofp %iota3A : vector<16x128xi32> to vector<16x128xf32>
    %convert_element_type3A_14 = arith.sitofp %arg1 : i32 to f32
    %lt3A = vector.broadcast %convert_element_type3A_14 : f32 to vector<16x128xf32>
    %lt3A_15 = arith.cmpf olt, %convert_element_type3A, %lt3A : vector<16x128xf32>
    %jit3A = arith.constant 0.000000e+00 : f32
    %broadcast_in_dim3A = vector.broadcast %jit3A : f32 to vector<16x128xf32>
    %select_n3A = arith.select %lt3A_15, %get3A_13, %broadcast_in_dim3A : vector<16x128xi1>, vector<16x128xf32>
    %reduce_sum3A = arith.constant dense<0.000000e+00> : vector<128xf32>
    %reduce_sum3A_16 = vector.multi_reduction <add>, %select_n3A, %reduce_sum3A [0] : vector<16x128xf32> to vector<128xf32>
    %broadcast_in_dim3A_17 = vector.shape_cast %reduce_sum3A_16 : vector<128xf32> to vector<1x128xf32>
    %reduce_sum3A_18 = arith.constant dense<0.000000e+00> : vector<128xf32>
    %reduce_sum3A_19 = vector.multi_reduction <add>, %get3A_13, %reduce_sum3A_18 [0] : vector<16x128xf32> to vector<128xf32>
    %broadcast_in_dim3A_20 = vector.shape_cast %reduce_sum3A_19 : vector<128xf32> to vector<1x128xf32>
    %iota3A_21 = tpu.iota {dimensions = array<i32: 1>} : vector<512x128xi32>
    %convert_element_type3A_22 = arith.sitofp %iota3A_21 : vector<512x128xi32> to vector<512x128xf32>
    %lt3A_23 = vector.broadcast %get3A_3 : vector<512x1xf32> to vector<512x128xf32>
    %lt3A_24 = arith.cmpf olt, %convert_element_type3A_22, %lt3A_23 : vector<512x128xf32>
    %broadcast_in_dim3A_25 = vector.shape_cast %broadcast_in_dim3A_20 : vector<1x128xf32> to vector<1x128xf32>
    %broadcast_in_dim3A_26 = vector.broadcast %broadcast_in_dim3A_25 : vector<1x128xf32> to vector<512x128xf32>
    %jit3A_27 = arith.constant 0.000000e+00 : f32
    %broadcast_in_dim3A_28 = vector.broadcast %jit3A_27 : f32 to vector<512x128xf32>
    %select_n3A_29 = arith.select %lt3A_24, %broadcast_in_dim3A_26, %broadcast_in_dim3A_28 : vector<512x128xi1>, vector<512x128xf32>
    %reduce_sum3A_30 = arith.constant dense<0.000000e+00> : vector<512xf32>
    %reduce_sum3A_31 = vector.multi_reduction <add>, %select_n3A_29, %reduce_sum3A_30 [1] : vector<512x128xf32> to vector<512xf32>
    %broadcast_in_dim3A_32 = vector.shape_cast %reduce_sum3A_31 : vector<512xf32> to vector<512x1xf32>
    %eq3A = vector.broadcast %get3A_3 : vector<512x1xf32> to vector<512x128xf32>
    %eq3A_33 = arith.cmpf oeq, %convert_element_type3A_22, %eq3A : vector<512x128xf32>
    %broadcast_in_dim3A_34 = vector.shape_cast %broadcast_in_dim3A_17 : vector<1x128xf32> to vector<1x128xf32>
    %broadcast_in_dim3A_35 = vector.broadcast %broadcast_in_dim3A_34 : vector<1x128xf32> to vector<512x128xf32>
    %jit3A_36 = arith.constant 0.000000e+00 : f32
    %broadcast_in_dim3A_37 = vector.broadcast %jit3A_36 : f32 to vector<512x128xf32>
    %select_n3A_38 = arith.select %eq3A_33, %broadcast_in_dim3A_35, %broadcast_in_dim3A_37 : vector<512x128xi1>, vector<512x128xf32>
    %reduce_sum3A_39 = arith.constant dense<0.000000e+00> : vector<512xf32>
    %reduce_sum3A_40 = vector.multi_reduction <add>, %select_n3A_38, %reduce_sum3A_39 [1] : vector<512x128xf32> to vector<512xf32>
    %broadcast_in_dim3A_41 = vector.shape_cast %reduce_sum3A_40 : vector<512xf32> to vector<512x1xf32>
    %convert_element_type3A_42 = arith.sitofp %arg0 : i32 to f32
    %add3A = arith.addf %broadcast_in_dim3A_32, %broadcast_in_dim3A_41 : vector<512x1xf32>
    %add3A_43 = arith.addf %add3A, %get3A_8 : vector<512x1xf32>
    %mul3A = arith.constant 8.192000e+03 : f32
    %mul3A_44 = arith.mulf %convert_element_type3A_42, %mul3A : f32
    %add3A_45 = vector.broadcast %mul3A_44 : f32 to vector<512x1xf32>
    %add3A_46 = arith.addf %add3A_43, %add3A_45 : vector<512x1xf32>
    %convert_element_type3A_47 = arith.fptosi %add3A_46 : vector<512x1xf32> to vector<512x1xi32>
    %swap3A = arith.constant 0 : index
    %swap3A_48 = arith.constant 0 : index
    %swap3A_49 = arith.constant 0 : index
    %swap3A_50 = vector.load %arg5[%swap3A, %swap3A_48, %swap3A_49] : memref<1x512x1xi32, #tpu.memory_space<vmem>>, vector<1x512x1xi32>
    %swap3A_51 = vector.shape_cast %swap3A_50 : vector<1x512x1xi32> to vector<512x1xi32>
    %swap3A_52 = vector.shape_cast %convert_element_type3A_47 : vector<512x1xi32> to vector<1x512x1xi32>
    tpu.vector_store %arg5[%swap3A, %swap3A_48, %swap3A_49], %swap3A_52 {strides = array<i32>} : memref<1x512x1xi32, #tpu.memory_space<vmem>>, vector<1x512x1xi32>,
    return
  }
  func.func @transform_0(%arg0: i32, %arg1: i32) -> (i32, i32, i32) {
    %mul3A = arith.constant 16 : i32
    %mul3A_0 = arith.muli %arg0, %mul3A : i32
    %add3A = arith.addi %mul3A_0, %arg1 : i32
    %c0_i32 = arith.constant 0 : i32
    %c0_i32_1 = arith.constant 0 : i32
    %c0_i32_2 = arith.constant 0 : i32
    return %add3A, %c0_i32, %c0_i32_1 : i32, i32, i32
  }
  func.func @transform_1(%arg0: i32, %arg1: i32) -> (i32, i32, i32) {
    %mul3A = arith.constant 16 : i32
    %mul3A_0 = arith.muli %arg0, %mul3A : i32
    %add3A = arith.addi %mul3A_0, %arg1 : i32
    %c0_i32 = arith.constant 0 : i32
    %c0_i32_1 = arith.constant 0 : i32
    %c0_i32_2 = arith.constant 0 : i32
    return %add3A, %c0_i32, %c0_i32_1 : i32, i32, i32
  }
  func.func @transform_2(%arg0: i32, %arg1: i32) -> (i32, i32, i32) {
    %c0_i32 = arith.constant 0 : i32
    %c0_i32_0 = arith.constant 0 : i32
    %c0_i32_1 = arith.constant 0 : i32
    return %arg0, %c0_i32, %c0_i32_0 : i32, i32, i32
  }
  func.func @transform_3(%arg0: i32, %arg1: i32) -> (i32, i32, i32) {
    %mul3A = arith.constant 16 : i32
    %mul3A_0 = arith.muli %arg0, %mul3A : i32
    %add3A = arith.addi %mul3A_0, %arg1 : i32
    %c0_i32 = arith.constant 0 : i32
    %c0_i32_1 = arith.constant 0 : i32
    %c0_i32_2 = arith.constant 0 : i32
    return %add3A, %c0_i32, %c0_i32_1 : i32, i32, i32
  }
}

module attributes {stable_mosaic.version = 14 : i64} {
  func.func @_pair_body(%arg0: i32, %arg1: memref<8x128x128xf32, #tpu.memory_space<vmem>>, %arg2: memref<8x128x1xf32, #tpu.memory_space<vmem>>, %arg3: memref<8x1x128xf32, #tpu.memory_space<vmem>>, %arg4: memref<8x128x128xf32, #tpu.memory_space<vmem>>) attributes {dimension_semantics = [#tpu.dimension_semantics<arbitrary>], iteration_bounds = array<i64: 32>, scalar_prefetch = 0 : i64, scratch_operands = 0 : i64, tpu.core_type = #tpu.core_type<tc>, window_params = [{transform_indices = @transform_0, window_bounds = array<i64: 8, 128, 128>}, {transform_indices = @transform_1, window_bounds = array<i64: 8, 128, 1>}, {transform_indices = @transform_2, window_bounds = array<i64: 8, 1, 128>}, {transform_indices = @transform_3, window_bounds = array<i64: 8, 128, 128>}]} {
    %get3A = arith.constant 0 : index
    %get3A_0 = arith.constant 0 : index
    %get3A_1 = arith.constant 0 : index
    %get3A_2 = vector.load %arg2[%get3A, %get3A_0, %get3A_1] : memref<8x128x1xf32, #tpu.memory_space<vmem>>, vector<8x128x1xf32>
    %get3A_3 = arith.constant 0 : index
    %get3A_4 = arith.constant 0 : index
    %get3A_5 = arith.constant 0 : index
    %get3A_6 = vector.load %arg3[%get3A_3, %get3A_4, %get3A_5] : memref<8x1x128xf32, #tpu.memory_space<vmem>>, vector<8x1x128xf32>
    %get3A_7 = arith.constant 0 : index
    %get3A_8 = arith.constant 0 : index
    %get3A_9 = arith.constant 0 : index
    %get3A_10 = vector.load %arg1[%get3A_7, %get3A_8, %get3A_9] : memref<8x128x128xf32, #tpu.memory_space<vmem>>, vector<8x128x128xf32>
    %mul3A = vector.broadcast %get3A_2 : vector<8x128x1xf32> to vector<8x128x128xf32>
    %mul3A_11 = arith.mulf %get3A_10, %mul3A : vector<8x128x128xf32>
    %mul3A_12 = arith.mulf %mul3A_11, %mul3A_11 : vector<8x128x128xf32>
    %broadcast_in_dim3A = arith.constant 1.000000e+00 : f32
    %broadcast_in_dim3A_13 = vector.broadcast %broadcast_in_dim3A : f32 to vector<8x1x128xf32>
    %dot_general3A = arith.constant dense<0.000000e+00> : vector<8x128x1xf32>
    %dot_general3A_14 = tpu.matmul %mul3A_12, %broadcast_in_dim3A_13, %dot_general3A {dimension_numbers = #tpu.dot_dimension_numbers<[2], [2], [1], [1], [0, 0, 0, 1, 1, 1], [0], [0]>, transpose_lhs_hint = false} : vector<8x128x128xf32>, vector<8x1x128xf32>, vector<8x128x1xf32> -> vector<8x128x1xf32>
    %dot_general3A_15 = arith.constant dense<0.000000e+00> : vector<8x1x128xf32>
    %dot_general3A_16 = tpu.matmul %broadcast_in_dim3A_13, %mul3A_12, %dot_general3A_15 {dimension_numbers = #tpu.dot_dimension_numbers<[2], [2], [1], [1], [0, 0, 0, 1, 1, 1], [0], [0]>, transpose_lhs_hint = false} : vector<8x1x128xf32>, vector<8x128x128xf32>, vector<8x1x128xf32> -> vector<8x1x128xf32>
    %dot_general3A_17 = arith.constant dense<0.000000e+00> : vector<8x128x128xf32>
    %dot_general3A_18 = tpu.matmul %mul3A_11, %mul3A_11, %dot_general3A_17 {dimension_numbers = #tpu.dot_dimension_numbers<[2], [2], [1], [1], [0, 0, 0, 1, 1, 1], [0], [0]>, transpose_lhs_hint = false} : vector<8x128x128xf32>, vector<8x128x128xf32>, vector<8x128x128xf32> -> vector<8x128x128xf32>
    %mul3A_19 = arith.constant 2.000000e+00 : f32
    %mul3A_20 = vector.broadcast %mul3A_19 : f32 to vector<8x128x128xf32>
    %mul3A_21 = arith.mulf %mul3A_20, %dot_general3A_18 : vector<8x128x128xf32>
    %sub3A = vector.broadcast %dot_general3A_14 : vector<8x128x1xf32> to vector<8x128x128xf32>
    %sub3A_22 = arith.subf %sub3A, %mul3A_21 : vector<8x128x128xf32>
    %add3A = vector.broadcast %dot_general3A_16 : vector<8x1x128xf32> to vector<8x128x128xf32>
    %add3A_23 = arith.addf %sub3A_22, %add3A : vector<8x128x128xf32>
    %jit3A = arith.constant 9.99999997E-7 : f32
    %jit3A_24 = arith.constant 1.000000e+06 : f32
    %max3A = vector.broadcast %jit3A : f32 to vector<8x128x128xf32>
    %max3A_25 = arith.maximumf %max3A, %add3A_23 : vector<8x128x128xf32>
    %min3A = vector.broadcast %jit3A_24 : f32 to vector<8x128x128xf32>
    %min3A_26 = arith.minimumf %min3A, %max3A_25 : vector<8x128x128xf32>
    %sqrt3A = math.sqrt %min3A_26 : vector<8x128x128xf32>
    %mul3A_27 = arith.constant -1.000000e-01 : f32
    %mul3A_28 = vector.broadcast %mul3A_27 : f32 to vector<8x128x128xf32>
    %mul3A_29 = arith.mulf %mul3A_28, %sqrt3A : vector<8x128x128xf32>
    %exp3A = math.exp %mul3A_29 : vector<8x128x128xf32>
    %jit3A_30 = arith.constant 0.000000e+00 : f32
    %jit3A_31 = arith.constant 1.000000e+00 : f32
    %max3A_32 = vector.broadcast %jit3A_30 : f32 to vector<8x128x128xf32>
    %max3A_33 = arith.maximumf %max3A_32, %exp3A : vector<8x128x128xf32>
    %min3A_34 = vector.broadcast %jit3A_31 : f32 to vector<8x128x128xf32>
    %min3A_35 = arith.minimumf %min3A_34, %max3A_33 : vector<8x128x128xf32>
    %mul3A_36 = vector.broadcast %get3A_2 : vector<8x128x1xf32> to vector<8x128x128xf32>
    %mul3A_37 = arith.mulf %min3A_35, %mul3A_36 : vector<8x128x128xf32>
    %mul3A_38 = vector.broadcast %get3A_6 : vector<8x1x128xf32> to vector<8x128x128xf32>
    %mul3A_39 = arith.mulf %mul3A_37, %mul3A_38 : vector<8x128x128xf32>
    %swap3A = arith.constant 0 : index
    %swap3A_40 = arith.constant 0 : index
    %swap3A_41 = arith.constant 0 : index
    %swap3A_42 = vector.load %arg4[%swap3A, %swap3A_40, %swap3A_41] : memref<8x128x128xf32, #tpu.memory_space<vmem>>, vector<8x128x128xf32>
    tpu.vector_store %arg4[%swap3A, %swap3A_40, %swap3A_41], %mul3A_39 {strides = array<i32>} : memref<8x128x128xf32, #tpu.memory_space<vmem>>, vector<8x128x128xf32>,
    return
  }
  func.func @transform_0(%arg0: i32) -> (i32, i32, i32) {
    %c0_i32 = arith.constant 0 : i32
    %c0_i32_0 = arith.constant 0 : i32
    %c0_i32_1 = arith.constant 0 : i32
    return %arg0, %c0_i32, %c0_i32_0 : i32, i32, i32
  }
  func.func @transform_1(%arg0: i32) -> (i32, i32, i32) {
    %c0_i32 = arith.constant 0 : i32
    %c0_i32_0 = arith.constant 0 : i32
    %c0_i32_1 = arith.constant 0 : i32
    return %arg0, %c0_i32, %c0_i32_0 : i32, i32, i32
  }
  func.func @transform_2(%arg0: i32) -> (i32, i32, i32) {
    %c0_i32 = arith.constant 0 : i32
    %c0_i32_0 = arith.constant 0 : i32
    %c0_i32_1 = arith.constant 0 : i32
    return %arg0, %c0_i32, %c0_i32_0 : i32, i32, i32
  }
  func.func @transform_3(%arg0: i32) -> (i32, i32, i32) {
    %c0_i32 = arith.constant 0 : i32
    %c0_i32_0 = arith.constant 0 : i32
    %c0_i32_1 = arith.constant 0 : i32
    return %arg0, %c0_i32, %c0_i32_0 : i32, i32, i32
  }
}

</mosaic_0001>

<sc_bundles>
// kernel: kernel.6.cloned.1.call-start
scs
__scs_entry_jumppad:
0x0: {  	(pc) =	sbr.rel $0x88, $3  }
0x1: {  	(tag) =	ssettag $0x0;
	lr =	simm.s32 $0x1  }
0x2: {  	[smem:$0x3F9D] =	sst lr;
	_ =	strace $0xD0000000  }
0x3: {  	_ = 	snop  }
0x4: {  	_ = 	snop  }
0x5: {  	_ = 	snop  }
0x6: {  	_ = 	snop  }
0x7: {  	_ = 	snop  }
__scs_overlays_trampoline_lowered:
0x8: {  	[smem:$0x3FAC] =	sst s0  }
0x9: {  	[smem:$0x3FAD] =	sst s1  }
0xa: {  	[smem:$0x3FAE] =	sst s2  }
0xb: {  	[smem:$0x3FAF] =	sst s3  }
0xc: {  	[smem:$0x3FB0] =	sst s4  }
0xd: {  	[smem:$0x3FB1] =	sst s5  }
0xe: {  	[smem:$0x3FB2] =	sst s6  }
0xf: {  	[smem:$0x3FB3] =	sst s7  }
0x10: {  	[smem:$0x3FB4] =	sst s8  }
0x11: {  	[smem:$0x3FB5] =	sst s9;
	s0 =	simm.s32 @!p0 $0x0  }
0x12: {  	s1 =	sld [smem:$0x3F9B];
	s0 =	simm.s32 @p0 $0x1  }
0x13: {  	[smem:$0x3FB6] =	sst s0;
	s0 =	simm.s32 @!p1 $0x0  }
0x14: {  	s2 =	sld [smem:$0x3F9A];
	s0 =	simm.s32 @p1 $0x1  }
0x15: {  	[smem:$0x3FB7] =	sst s0;
	s0 =	simm.s32 @!p2 $0x0  }
0x16: {  	s3 =	sld [smem:$0x3FDB];
	s0 =	simm.s32 @p2 $0x1  }
0x17: {  	s4 =	simm.s32 $0x1BF5;
	[smem:$0x3FB9] =	sst s0  }
0x18: {  	s0 =	sld [smem:$0x3F9C];
	_ =	swait.ge [sflag:s4], $0x0  }
0x19: {  	s7 =	sld [smem:$0x3F9D]  }
0x1a: {  	s8 =	sadd.s32 $0xFFFFE003, lr  }
0x1b: {  	s9 =	sadd.s32 $0xFFFFFEF7, lr;
	s5 =	simm.s32 $0xFFFFFFFF;
	p2 =	slt.u32 s8, $0xFFFFF086  }
0x1c: {  	p1 =	slt.u32 s9, $0xF7A;
	s5 =	simm.s32 @!p2 $0x0  }
0x1d: {  	s5 =	simm.s32 @p1 $0x1;
	p0 =	seq.s32 s7, s2  }
0x1e: {  	s7 =	smul.u32 @!p0 $0xF7A, s2;
	p2 =	seq.s32 @!p0 s5, $0x0  }
0x1f: {  	s9 =	smul.u32 $0xF7A, s1;
	s8 =	simm.s32 @!p0 $0x1BF5;
	p2 =	por !p2, p0  }
0x20: {  	[sflag:s8] =	ssyncset.s32 @!p0 $0xFFFFF086;
	s6 =	sadd.s32 @!p0 s3, s7;
	s7 =	simm.s32 @!p0 $0x108  }
0x21: {  	s3 =	sadd.s32 s3, s9;
	s6 =	sadd.s32 @!p0 $0x88, s6;
	s7 =	simm.s32 @p2 $0x1082  }
0x22: {  	[simem:s7], [sflag:s8] =	dma.local @!p0 [hbm:s6], $0xF7A  }
0x23: {  	s9 =	sor.u32 $0xD0000000, s2;
	s6 =	simm.s32 $0x108;
	_ =	swait.ge @!p0 [sflag:s8], $0x0  }
0x24: {  	s3 =	sadd.s32 $0x88, s3;
	s6 =	simm.s32 @!p1 $0x1082;
	[sflag:s4] =	ssyncset.s32 $0xFFFFF086  }
0x25: {  	[simem:s6], [sflag:s4] =	dma.local [hbm:s3], $0xF7A  }
0x26: {  	[smem:$0x3F9D] =	sst s1;
	(tag) =	ssettag s2;
	_ =	strace s9  }
0x27: {  	s1 =	sld [smem:$0x3FAD]  }
0x28: {  	s2 =	sld [smem:$0x3FAE]  }
0x29: {  	s4 =	sld [smem:$0x3FB0]  }
0x2a: {  	p0 =	seq.s32 s5, $0x0;
	s5 =	sld [smem:$0x3FB1]  }
0x2b: {  	s6 =	sld [smem:$0x3FB2]  }
0x2c: {  	s7 =	sld [smem:$0x3FB3]  }
0x2d: {  	s3 =	simm.s32 $0x108;
	s8 =	sld [smem:$0x3FB4]  }
0x2e: {  	s3 =	simm.s32 @!p0 $0x1082;
	s9 =	sld [smem:$0x3FB5]  }
0x2f: {  	lr =	sadd.s32 s0, s3;
	s0 =	sld [smem:$0x3FAC]  }
0x30: {  	s3 =	sld [smem:$0x3FAF]  }
0x31: {  	[smem:$0x3FB8] =	sst s10  }
0x32: {  	s10 =	sld [smem:$0x3FB6];
	_ =	sdelay $0x3  }
0x33: {  	p0 =	seq.s32 s10, $0x1;
	s10 =	sld [smem:$0x3FB8];
	_ =	sdelay $0x3  }
0x34: {  	[smem:$0x3FB8] =	sst s10  }
0x35: {  	s10 =	sld [smem:$0x3FB7];
	_ =	sdelay $0x3  }
0x36: {  	p1 =	seq.s32 s10, $0x1;
	s10 =	sld [smem:$0x3FB8];
	_ =	sdelay $0x3  }
0x37: {  	[smem:$0x3FB8] =	sst s10  }
0x38: {  	s10 =	sld [smem:$0x3FB9]  }
0x39: {  	_ = 	snop;
	(pc) =	sbr.ind lr, $3  }
0x3a: {  	_ = 	snop  }
0x3b: {  	_ = 	snop  }
0x3c: {  	p2 =	seq.s32 s10, $0x1;
	s10 =	sld [smem:$0x3FB8]  }
0x3d: {  	_ =	shalt  }
0x3e: {  	_ =	shalt  }
0x3f: {  	_ =	shalt  }
0x40: {  	_ =	shalt  }
0x41: {  	_ =	shalt  }
0x42: {  	_ =	shalt  }
0x43: {  	_ =	shalt  }
0x44: {  	_ =	shalt  }
0x45: {  	_ =	shalt  }
0x46: {  	_ =	shalt  }
0x47: {  	_ =	shalt  }
0x48: {  	_ =	shalt  }
0x49: {  	_ =	shalt  }
0x4a: {  	_ =	shalt  }
0x4b: {  	_ =	shalt  }
0x4c: {  	_ =	shalt  }
0x4d: {  	_ =	shalt  }
0x4e: {  	_ =	shalt  }
0x4f: {  	_ =	shalt  }
0x50: {  	_ =	shalt  }
0x51: {  	_ =	shalt  }
0x52: {  	_ =	shalt  }
0x53: {  	_ =	shalt  }
0x54: {  	_ =	shalt  }
0x55: {  	_ =	shalt  }
0x56: {  	_ =	shalt  }
0x57: {  	_ =	shalt  }
0x58: {  	_ =	shalt  }
0x59: {  	_ =	shalt  }
0x5a: {  	_ =	shalt  }
0x5b: {  	_ =	shalt  }
0x5c: {  	_ =	shalt  }
0x5d: {  	_ =	shalt  }
0x5e: {  	_ =	shalt  }
0x5f: {  	_ =	shalt  }
0x60: {  	_ =	shalt  }
0x61: {  	_ =	shalt  }
0x62: {  	_ =	shalt  }
0x63: {  	_ =	shalt  }
0x64: {  	_ =	shalt  }
0x65: {  	_ =	shalt  }
0x66: {  	_ =	shalt  }
0x67: {  	_ =	shalt  }
0x68: {  	_ =	shalt  }
0x69: {  	_ =	shalt  }
0x6a: {  	_ =	shalt  }
0x6b: {  	_ =	shalt  }
0x6c: {  	_ =	shalt  }
0x6d: {  	_ =	shalt  }
0x6e: {  	_ =	shalt  }
0x6f: {  	_ =	shalt  }
0x70: {  	_ =	shalt  }
0x71: {  	_ =	shalt  }
0x72: {  	_ =	shalt  }
0x73: {  	_ =	shalt  }
0x74: {  	_ =	shalt  }
0x75: {  	_ =	shalt  }
0x76: {  	_ =	shalt  }
0x77: {  	_ =	shalt  }
0x78: {  	_ =	shalt  }
0x79: {  	_ =	shalt  }
0x7a: {  	_ =	shalt  }
0x7b: {  	_ =	shalt  }
0x7c: {  	_ =	shalt  }
0x7d: {  	_ =	shalt  }
0x7e: {  	_ =	shalt  }
0x7f: {  	_ =	shalt  }
0x80: {  	_ =	shalt  }
0x81: {  	_ =	shalt  }
0x82: {  	_ =	shalt  }
0x83: {  	_ =	shalt  }
0x84: {  	_ =	shalt  }
0x85: {  	_ =	shalt  }
0x86: {  	_ =	shalt  }
0x87: {  	_ =	shalt  }
.Lfunc_end0:
.L_simem_size_0:
called_computation_lowered:
.L_overlay_start_0:
0x88: {  	s2 =	sld [smem:$0x3FD9]  }
0x89: {  	s3 =	sld [smem:$0x3FFE];
	_ =	sdelay $0x1  }
0x8a: {  	s1 =	srdreg.scid  }
0x8b: {  	s0 =	sand.u32 $0x1, s1  }
0x8c: {  	s14 =	sshll.u32 s0, $0xA;
	s2 =	sadd.s32 s3, s2  }
0x8d: {  	s2 =	sadd.s32 s2, s14  }
0x8e: {  	[smem:$0x3FC4] =	sst s2  }
0x8f: {  	_ = 	snop  }
0x90: {  	s2 =	sld [smem:$0x3FD0];
	_ =	sdelay $0x1  }
0x91: {  	s15 =	sld [smem:$0x3FC9]  }
0x92: {  	s5 =	simm.s32 $0xA;
	s6 =	simm.s32 $0x10;
	s4 =	sld [smem:$0x3FC8]  }
0x93: {  	[smem:s6], [sflag:s5] =	dma.local [hbm:s2], $0x1  }
0x94: {  	_ =	swait.eq [sflag:s5], $0x1  }
0x95: {  	s16 =	sld [smem:$0x10];
	[sflag:s5] =	ssyncset.done $0x0  }
0x96: {  	s17 =	sld [smem:$0x11];
	[sflag:s5] =	ssyncadd.s32 $0xFFFFFFFF  }
0x97: {  	s18 =	sld [smem:$0x12];
	(tm) =	ssettm $0x1  }
0x98: {  	s7 =	sld [smem:$0x3FFB];
	_ =	sdelay $0x3  }
0x99: {  	_ =	strace s7  }
0x9a: {  	s7 =	sld [smem:$0x3FFC];
	_ =	sdelay $0x3  }
0x9b: {  	_ =	strace s7  }
0x9c: {  	s7 =	sld [smem:$0x3FFD];
	_ =	sdelay $0x3  }
0x9d: {  	_ =	strace s7  }
0x9e: {  	_ =	strace $0x8FFFFFFF  }
0x9f: {  	s19 =	sld [smem:$0x3FDB];
	_ =	sdelay $0x1  }
0xa0: {  	s8 =	simm.s32 $_scs_section_size  }
0xa1: {  	s9 =	simm.s32 $_size__tile_overlayer_lowered;
	s10 =	simm.s32 $_tile_overlayer_lowered  }
0xa2: {  	s22 =	simm.s32 $0x1BFF;
	s21 =	sshll.u32 s10, $0x1;
	s7 =	sadd.s32 s8, s19  }
0xa3: {  	s11 =	simm.s32 $0x0;
	s20 =	sshll.u32 s9, $0x1;
	s9 =	sadd.s32 s21, s7  }
0xa4: {  	[timem:s11], [sflag:s22] =	dma.local [hbm:s9], s20  }
0xa5: {  	_ =	swait.ge [sflag:s22], s20  }
0xa6: {  	s8 =	ssub.s32 $0x0, s20;
	[sflag:s22] =	ssyncset.done $0x0  }
0xa7: {  	[sflag:s22] =	ssyncadd.s32 s8;
	_ =	sdelay $0x1  }
0xa8: {  	s23 =	simm.s32 $0x1B8B  }
0xa9: {  	_ =	swait.ge [sflag:s23], $0x1  }
0xaa: {  	[sflag:s23] =	ssyncset.done $0x0  }
0xab: {  	s25 =	simm.s32 $0x1B8E;
	s24 =	sld [smem:$0x3FFE];
	[sflag:s23] =	ssyncadd.s32 $0xFFFFFFFF  }
0xac: {  	s26 =	simm.s32 $execute0_lowered;
	[smem:$0x3FD2] =	sst s25  }
0xad: {  	s9 =	sshll.u32 s26, $0x1;
	_ =	strace $0x80000046;
	[dreg:$0x1] =	wrdreg $0xFFFFFFFF  }
0xae: {  	s28 =	simm.s32 $_size_execute0_lowered;
	s7 =	sadd.s32 s7, s9;
	[dreg:$0x0] =	wrdreg $0x0  }
0xaf: {  	s9 =	sshll.u32 s28, $0x1;
	[dreg:$0x2] =	wrdreg s7  }
0xb0: {  	[dreg:$0x3] =	wrdreg s9  }
0xb1: {  	[dreg:$0x4] =	wrdreg $0xC0  }
0xb2: {  	_ =	task [dreg:s11], $0x5FFFF  }
0xb3: {  	[dreg:$0x1] =	wrdreg $0xFFFFFFFF  }
0xb4: {  	[dreg:$0x0] =	wrdreg $0x60  }
0xb5: {  	[dreg:$0x2] =	wrdreg s16  }
0xb6: {  	[dreg:$0x3] =	wrdreg s15  }
0xb7: {  	[dreg:$0x4] =	wrdreg s4  }
0xb8: {  	[dreg:$0x5] =	wrdreg s24  }
0xb9: {  	[dreg:$0x6] =	wrdreg s18  }
0xba: {  	[dreg:$0x7] =	wrdreg s17  }
0xbb: {  	[dreg:$0x8] =	wrdreg $0x9  }
0xbc: {  	_ =	task.clear_ibuf [dreg:s11], $0x9FFFF;
	_ =	strace $0x90000046  }
0xbd: {  	s29 =	simm.s32 $0x9;
	_ =	strace $0x80000048  }
0xbe: {  	_ =	swait.ge [sflag:s29], $0x1  }
0xbf: {  	[sflag:s29] =	ssyncadd.s32 $0xFFFFFFFF  }
0xc0: {  	_ =	strace $0x90000048  }
0xc1: {  	_ =	sfence  }
0xc2: {  	s30 =	sld [smem:$0x0];
	_ =	sdelay $0x2  }
0xc3: {  	s31 =	sshll.u32 s1, $0xD;
	s1 =	sshrl.u32 s1, $0x2  }
0xc4: {  	s3 =	sand.u32 $0x4000, s31;
	s1 =	sadd.s32 s1, s30  }
0xc5: {  	s0 =	sor.u32 s3, s0;
	s1 =	sshll.u32 s1, $0x11  }
0xc6: {  	s0 =	sor.u32 s1, s0  }
0xc7: {  	s0 =	sadd.s32 $0x8F2B, s0  }
0xc8: {  	[sflag:s0] =	ssyncadd.remote.s32 $0x1  }
0xc9: {  	_ =	sfence.sel $0xFFFF  }
0xca: {  	[dreg:$0x0] =	wrdreg $0xFFFFFFFF;
	(pc) =	sbr.abs _section_cstart, $3  }
0xcb: {  	[dreg:$0x1] =	wrdreg $0xFFFFFFFF  }
0xcc: {  	_ =	task.clear_ibuf [dreg:s11], $0x2FFFF;
	_ =	strace $0x9FFFFFFF  }
0xcd: {  	(tm) =	ssettm $0x7FFFFFFF  }
tec
execute0_lowered:
.L_overlay_start_1:
0x0: {  	(tag) =	ssettag $0x1  }
0x1: {  	s6 =	rddreg [dreg:$0x0]  }
0x2: {  	s5 =	rddreg [dreg:$0x1]  }
0x3: {  	s1 =	rddreg [dreg:$0x2]  }
0x4: {  	s0 =	rddreg [dreg:$0x3]  }
0x5: {  	s3 =	rddreg [dreg:$0x5]  }
0x6: {  	s4 =	srdreg.scid;
	s7 =	stileid.u32;
	s31 =	simm.s32 $0x2  }
0x7: {  	s8 =	sand.u32 $0x1, s4;
	s4 =	simm.s32 $0x0;
	s7 =	sshll.u32 s7, $0xB  }
0x8: {  	s9 =	sshll.u32 s8, $0xA;
	[smem:$0x7FF] =	sst s4;
	s8 =	ssub.s32 $0x2, s8  }
0x9: {  	s9 =	sor.u32 s9, s7;
	_ =	strace $0x80000047;
	s7 =	sadd.s32 $0xC00, s0  }
0xa: {  	s10 =	sshrl.u32 s9, $0x3;
	s12 =	sshll.u32 s9, $0x4;
	s16 =	sshll.u32 s9, $0x5  }
0xb: {  	s18 =	sor.u32 $0x80, s9;
	s23 =	sor.u32 $0x100, s9;
	s11 =	sadd.s32 s6, s10  }
0xc: {  	s2 =	sor.u32 $0x180, s9;
	s15 =	sadd.s32 s5, s12;
	[dreg:$0x7] =	wrdreg s11  }
0xd: {  	s17 =	sadd.s32 s1, s16;
	s10 =	sadd.s32 s7, s10;
	[dreg:$0x8] =	wrdreg s15  }
0xe: {  	s19 =	sshrl.u32 s18, $0x3;
	s13 =	sshll.u32 s18, $0x4;
	[dreg:$0x9] =	wrdreg s17  }
0xf: {  	s12 =	sshll.u32 s18, $0x5;
	[dreg:$0xa] =	wrdreg s10;
	s20 =	sadd.s32 s6, s19  }
0x10: {  	s25 =	sshrl.u32 s23, $0x3;
	s21 =	sadd.s32 s5, s13;
	[dreg:$0xb] =	wrdreg s20  }
0x11: {  	s28 =	sshll.u32 s23, $0x4;
	s22 =	sadd.s32 s1, s12;
	[dreg:$0xc] =	wrdreg s21  }
0x12: {  	s14 =	sshrl.u32 s2, $0x3;
	s24 =	sadd.s32 s7, s19;
	[dreg:$0xd] =	wrdreg s22  }
0x13: {  	s16 =	sshll.u32 s2, $0x4;
	s26 =	sadd.s32 s6, s25;
	[dreg:$0xe] =	wrdreg s24  }
0x14: {  	s29 =	sadd.s32 s5, s28;
	s12 =	sshll.u32 s23, $0x5;
	[dreg:$0xf] =	wrdreg s26  }
0x15: {  	s13 =	sadd.s32 s7, s25;
	s15 =	sadd.s32 s6, s14;
	[dreg:$0x10] =	wrdreg s29  }
0x16: {  	s17 =	sadd.s32 s5, s16;
	s19 =	sor.u32 $0x200, s9;
	[dreg:$0x12] =	wrdreg s13  }
0x17: {  	s16 =	sor.u32 $0x300, s9;
	s30 =	sadd.s32 s1, s12;
	[dreg:$0x13] =	wrdreg s15  }
0x18: {  	s12 =	sshll.u32 s2, $0x5;
	[dreg:$0x14] =	wrdreg s17;
	s20 =	sadd.s32 s7, s14  }
0x19: {  	s21 =	sshrl.u32 s19, $0x3;
	s23 =	sshll.u32 s19, $0x4;
	[dreg:$0x11] =	wrdreg s30  }
0x1a: {  	s26 =	sor.u32 $0x280, s9;
	s18 =	sadd.s32 s1, s12;
	[dreg:$0x16] =	wrdreg s20  }
0x1b: {  	s9 =	sor.u32 $0x380, s9;
	s22 =	sadd.s32 s6, s21;
	[dreg:$0x15] =	wrdreg s18  }
0x1c: {  	s24 =	sadd.s32 s5, s23;
	s12 =	sshll.u32 s19, $0x5;
	[dreg:$0x17] =	wrdreg s22  }
0x1d: {  	s28 =	sadd.s32 s7, s21;
	s29 =	sshrl.u32 s26, $0x3;
	[dreg:$0x18] =	wrdreg s24  }
0x1e: {  	s2 =	sshll.u32 s26, $0x4;
	s25 =	sadd.s32 s1, s12;
	[dreg:$0x1a] =	wrdreg s28  }
0x1f: {  	s20 =	sshll.u32 s16, $0x4;
	s30 =	sadd.s32 s6, s29;
	[dreg:$0x19] =	wrdreg s25  }
0x20: {  	s14 =	sadd.s32 s5, s2;
	s12 =	sshll.u32 s26, $0x5;
	[dreg:$0x1b] =	wrdreg s30  }
0x21: {  	s17 =	sadd.s32 s7, s29;
	s18 =	sshrl.u32 s16, $0x3;
	[dreg:$0x1c] =	wrdreg s14  }
0x22: {  	s21 =	sadd.s32 s5, s20;
	s24 =	sshrl.u32 s9, $0x3;
	[dreg:$0x1e] =	wrdreg s17  }
0x23: {  	s26 =	sshll.u32 s9, $0x5;
	s15 =	sadd.s32 s1, s12;
	[smem:$0x7F7] =	sst s21  }
0x24: {  	s28 =	sshrl.u32 s8, $0x1;
	s19 =	sadd.s32 s6, s18;
	[dreg:$0x1d] =	wrdreg s15  }
0x25: {  	s12 =	sshll.u32 s16, $0x5;
	s23 =	sadd.s32 s7, s18;
	[dreg:$0x1f] =	wrdreg s19  }
0x26: {  	s6 =	sadd.s32 s6, s24;
	s25 =	sshll.u32 s9, $0x4;
	[smem:$0x7F9] =	sst s23  }
0x27: {  	s29 =	ssub.s32 s8, s28;
	s30 =	sadd.s32 s7, s24;
	[smem:$0x7FA] =	sst s6  }
0x28: {  	s7 =	simm.s32 $0x80;
	s22 =	sadd.s32 s1, s12;
	[smem:$0x7FD] =	sst s30  }
0x29: {  	v2 =	vlaneseq.u32;
	s18 =	simm.s32 $0xC100;
	s5 =	sadd.s32 s5, s25;
	[smem:$0x7F8] =	sst s22  }
0x2a: {  	vm0 =	vmmov $0xffff;
	v1 =	vshrl.u32 v2, $0x3;
	s14 =	simm.s32 $0x1;
	s1 =	sadd.s32 s1, s26;
	[smem:$0x7FB] =	sst s5  }
0x2b: {  	v0 =	vand.u32 $0x7, v2;
	v2 =	vor.u32 $0x8, v2;
	v1 =	vmul.u32 $0x8, v1;
	s6 =	smax.u32 s29, $0x1;
	[smem:$0x7FC] =	sst s1;
	s5 =	sadd.s32 $0x1C00, s0  }
.LBB2_1:
0x2c: {  	s29 =	rddreg [dreg:$0x7]  }
0x2d: {  	[tilespmem:s4], [sflag:$0x1] =	stream.linear.gather [hbm4b:s29+s4], $0x80, $0x38;
	[tilespmem:$0x18200] =	vst v63  }
0x2e: {  	s30 =	rddreg [dreg:$0x8]  }
0x2f: {  	[tilespmem:s7], [sflag:$0x1] =	stream.linear.gather [hbm4b:s30+s4], $0x4000, $0x38;
	[tilespmem:$0x18200] =	vst v63  }
0x30: {  	s8 =	rddreg [dreg:$0x9];
	s9 =	simm.s32 $0x4080  }
0x31: {  	[tilespmem:s9], [sflag:$0x1] =	stream.linear.gather [hbm4b:s8+s4], $0x8000, $0x38;
	[tilespmem:$0x18200] =	vst v63  }
0x32: {  	s10 =	rddreg [dreg:$0xa];
	s0 =	simm.s32 $0xC080  }
0x33: {  	[tilespmem:s0], [sflag:$0x1] =	stream.linear.gather [hbm4b:s10+s4], $0x80, $0x38;
	[tilespmem:$0x18200] =	vst v63  }
0x34: {  	s11 =	rddreg [dreg:$0xb]  }
0x35: {  	[tilespmem:s18], [sflag:$0x1] =	stream.linear.gather [hbm4b:s11+s4], $0x80, $0x38;
	[tilespmem:$0x18200] =	vst v63  }
0x36: {  	s12 =	rddreg [dreg:$0xc];
	s15 =	simm.s32 $0xC180  }
0x37: {  	[tilespmem:s15], [sflag:$0x1] =	stream.linear.gather [hbm4b:s12+s4], $0x4000, $0x38;
	[tilespmem:$0x18200] =	vst v63  }
0x38: {  	s13 =	rddreg [dreg:$0xd];
	s17 =	simm.s32 $0x10180  }
0x39: {  	[tilespmem:s17], [sflag:$0x1] =	stream.linear.gather [hbm4b:s13+s4], $0x8000, $0x38;
	[tilespmem:$0x18200] =	vst v63  }
0x3a: {  	s16 =	rddreg [dreg:$0xe];
	s19 =	simm.s32 $0x18180  }
0x3b: {  	[tilespmem:s19], [sflag:$0x1] =	stream.linear.gather [hbm4b:s16+s4], $0x80, $0x38;
	[tilespmem:$0x18200] =	vst v63  }
0x3c: {  	_ =	swait.ge [sflag:s14], $0x80  }
0x3d: {  	[sflag:s14] =	ssyncset.done $0x0  }
0x3e: {  	[sflag:s14] =	ssyncadd.s32 $0xFFFFFF80  }
0x3f: {  	_ =	swait.ge [sflag:s14], $0x4000  }
0x40: {  	[sflag:s14] =	ssyncset.done $0x0  }
0x41: {  	[sflag:s14] =	ssyncadd.s32 $0xFFFFC000  }
0x42: {  	_ =	swait.ge [sflag:s14], $0x8000  }
0x43: {  	[sflag:s14] =	ssyncset.done $0x0  }
0x44: {  	[sflag:s14] =	ssyncadd.s32 $0xFFFF8000  }
0x45: {  	_ =	swait.ge [sflag:s14], $0x80  }
0x46: {  	[sflag:s14] =	ssyncset.done $0x0  }
0x47: {  	[sflag:s14] =	ssyncadd.s32 $0xFFFFFF80  }
0x48: {  	s10 =	rddreg [dreg:$0x4]  }
0x49: {  	[hbm4b:s10+s7] =	stream.indirect.scatter [tilespmem:s7], [sflag:$0x2], $0x80, s4, s7, $0xb8;
	[tilespmem:$0x18200] =	vst v63  }
0x4a: {  	v3 =	vld [tilespmem:$0x0];
	_ =	sdelay $0x4  }
0x4b: {  	v4 =	vshll.u32 v3, $0x1  }
0x4c: {  	v3 =	vand.u32 $0x7, v3;
	v4 =	vand.u32 $0xFFFFFFF0, v4  }
0x4d: {  	v3 =	vor.u32 v3, v4  }
0x4e: {  	v4 =	vperm.xlane v3, v0;
	_ =	sdelay $0x1  }
0x4f: {  	v3 =	vperm.xlane v3, v2;
	v4 =	vadd.s32 v1, v4;
	_ =	sdelay $0x1  }
0x50: {  	v3 =	vadd.s32 v1, v3;
	_ =	sdelay $0x2  }
0x51: {  	[hbm4b:s3+s4] =	stream.indirect_vreg.scatter [tilespmem:s9], [sflag:$0x2], $0x80, v4, vm0, $0xb8;
	[tilespmem:$0x18200] =	vst v63  }
0x52: {  	s20 =	simm.s32 $0x4880  }
0x53: {  	[hbm4b:s3+s4] =	stream.indirect_vreg.scatter [tilespmem:s20], [sflag:$0x2], $0x80, v3, vm0, $0xb8;
	[tilespmem:$0x18200] =	vst v63  }
0x54: {  	v3 =	vld [tilespmem:$0x10];
	_ =	sdelay $0x4  }
0x55: {  	v57 =	vshll.u32 v3, $0x1  }
0x56: {  	v3 =	vand.u32 $0x7, v3;
	v4 =	vand.u32 $0xFFFFFFF0, v57  }
0x57: {  	v3 =	vor.u32 v3, v4  }
0x58: {  	v4 =	vperm.xlane v3, v0;
	_ =	sdelay $0x1  }
0x59: {  	v3 =	vperm.xlane v3, v2;
	v4 =	vadd.s32 v1, v4;
	_ =	sdelay $0x1  }
0x5a: {  	v3 =	vadd.s32 v1, v3;
	_ =	sdelay $0x1  }
0x5b: {  	s21 =	simm.s32 $0x5080  }
0x5c: {  	[hbm4b:s3+s4] =	stream.indirect_vreg.scatter [tilespmem:s21], [sflag:$0x2], $0x80, v4, vm0, $0xb8;
	[tilespmem:$0x18200] =	vst v63  }
0x5d: {  	s22 =	simm.s32 $0x5880  }
0x5e: {  	[hbm4b:s3+s4] =	stream.indirect_vreg.scatter [tilespmem:s22], [sflag:$0x2], $0x80, v3, vm0, $0xb8;
	[tilespmem:$0x18200] =	vst v63  }
0x5f: {  	v3 =	vld [tilespmem:$0x20];
	_ =	sdelay $0x4  }
0x60: {  	v58 =	vshll.u32 v3, $0x1  }
0x61: {  	v3 =	vand.u32 $0x7, v3;
	v4 =	vand.u32 $0xFFFFFFF0, v58  }
0x62: {  	v3 =	vor.u32 v3, v4  }
0x63: {  	v4 =	vperm.xlane v3, v0;
	_ =	sdelay $0x1  }
0x64: {  	v3 =	vperm.xlane v3, v2;
	v4 =	vadd.s32 v1, v4;
	_ =	sdelay $0x1  }
0x65: {  	v3 =	vadd.s32 v1, v3;
	_ =	sdelay $0x1  }
0x66: {  	s23 =	simm.s32 $0x6080  }
0x67: {  	[hbm4b:s3+s4] =	stream.indirect_vreg.scatter [tilespmem:s23], [sflag:$0x2], $0x80, v4, vm0, $0xb8;
	[tilespmem:$0x18200] =	vst v63  }
0x68: {  	s24 =	simm.s32 $0x6880  }
0x69: {  	[hbm4b:s3+s4] =	stream.indirect_vreg.scatter [tilespmem:s24], [sflag:$0x2], $0x80, v3, vm0, $0xb8;
	[tilespmem:$0x18200] =	vst v63  }
0x6a: {  	v3 =	vld [tilespmem:$0x30];
	_ =	sdelay $0x4  }
0x6b: {  	v59 =	vshll.u32 v3, $0x1  }
0x6c: {  	v3 =	vand.u32 $0x7, v3;
	v4 =	vand.u32 $0xFFFFFFF0, v59  }
0x6d: {  	v3 =	vor.u32 v3, v4  }
0x6e: {  	v4 =	vperm.xlane v3, v0;
	_ =	sdelay $0x1  }
0x6f: {  	v3 =	vperm.xlane v3, v2;
	v4 =	vadd.s32 v1, v4;
	_ =	sdelay $0x1  }
0x70: {  	v3 =	vadd.s32 v1, v3;
	_ =	sdelay $0x1  }
0x71: {  	s25 =	simm.s32 $0x7080  }
0x72: {  	[hbm4b:s3+s4] =	stream.indirect_vreg.scatter [tilespmem:s25], [sflag:$0x2], $0x80, v4, vm0, $0xb8;
	[tilespmem:$0x18200] =	vst v63  }
0x73: {  	s26 =	simm.s32 $0x7880  }
0x74: {  	[hbm4b:s3+s4] =	stream.indirect_vreg.scatter [tilespmem:s26], [sflag:$0x2], $0x80, v3, vm0, $0xb8;
	[tilespmem:$0x18200] =	vst v63  }
0x75: {  	v3 =	vld [tilespmem:$0x40];
	_ =	sdelay $0x4  }
0x76: {  	v60 =	vshll.u32 v3, $0x1  }
0x77: {  	v3 =	vand.u32 $0x7, v3;
	v4 =	vand.u32 $0xFFFFFFF0, v60  }
0x78: {  	v3 =	vor.u32 v3, v4  }
0x79: {  	v4 =	vperm.xlane v3, v0;
	_ =	sdelay $0x1  }
0x7a: {  	v3 =	vperm.xlane v3, v2;
	v4 =	vadd.s32 v1, v4;
	_ =	sdelay $0x1  }
0x7b: {  	v3 =	vadd.s32 v1, v3;
	_ =	sdelay $0x1  }
0x7c: {  	s28 =	simm.s32 $0x8080  }
0x7d: {  	[hbm4b:s3+s4] =	stream.indirect_vreg.scatter [tilespmem:s28], [sflag:$0x2], $0x80, v4, vm0, $0xb8;
	[tilespmem:$0x18200] =	vst v63  }
0x7e: {  	s29 =	simm.s32 $0x8880  }
0x7f: {  	[hbm4b:s3+s4] =	stream.indirect_vreg.scatter [tilespmem:s29], [sflag:$0x2], $0x80, v3, vm0, $0xb8;
	[tilespmem:$0x18200] =	vst v63  }
0x80: {  	v3 =	vld [tilespmem:$0x50];
	_ =	sdelay $0x4  }
0x81: {  	v61 =	vshll.u32 v3, $0x1  }
0x82: {  	v3 =	vand.u32 $0x7, v3;
	v4 =	vand.u32 $0xFFFFFFF0, v61  }
0x83: {  	v3 =	vor.u32 v3, v4  }
0x84: {  	v4 =	vperm.xlane v3, v0;
	_ =	sdelay $0x1  }
0x85: {  	v3 =	vperm.xlane v3, v2;
	v4 =	vadd.s32 v1, v4;
	_ =	sdelay $0x1  }
0x86: {  	v3 =	vadd.s32 v1, v3;
	_ =	sdelay $0x1  }
0x87: {  	s30 =	simm.s32 $0x9080  }
0x88: {  	[hbm4b:s3+s4] =	stream.indirect_vreg.scatter [tilespmem:s30], [sflag:$0x2], $0x80, v4, vm0, $0xb8;
	[tilespmem:$0x18200] =	vst v63  }
0x89: {  	s1 =	simm.s32 $0x9880  }
0x8a: {  	[hbm4b:s3+s4] =	stream.indirect_vreg.scatter [tilespmem:s1], [sflag:$0x2], $0x80, v3, vm0, $0xb8;
	[tilespmem:$0x18200] =	vst v63  }
0x8b: {  	v3 =	vld [tilespmem:$0x60];
	_ =	sdelay $0x4  }
0x8c: {  	v62 =	vshll.u32 v3, $0x1  }
0x8d: {  	v3 =	vand.u32 $0x7, v3;
	v4 =	vand.u32 $0xFFFFFFF0, v62  }
0x8e: {  	v3 =	vor.u32 v3, v4  }
0x8f: {  	v4 =	vperm.xlane v3, v0;
	_ =	sdelay $0x1  }
0x90: {  	v3 =	vperm.xlane v3, v2;
	v4 =	vadd.s32 v1, v4;
	_ =	sdelay $0x1  }
0x91: {  	v3 =	vadd.s32 v1, v3;
	_ =	sdelay $0x1  }
0x92: {  	s8 =	simm.s32 $0xA080  }
0x93: {  	[hbm4b:s3+s4] =	stream.indirect_vreg.scatter [tilespmem:s8], [sflag:$0x2], $0x80, v4, vm0, $0xb8;
	[tilespmem:$0x18200] =	vst v63  }
0x94: {  	s17 =	simm.s32 $0xA880  }
0x95: {  	[hbm4b:s3+s4] =	stream.indirect_vreg.scatter [tilespmem:s17], [sflag:$0x2], $0x80, v3, vm0, $0xb8;
	[tilespmem:$0x18200] =	vst v63  }
0x96: {  	v3 =	vld [tilespmem:$0x70];
	_ =	sdelay $0x4  }
0x97: {  	v63 =	vshll.u32 v3, $0x1  }
0x98: {  	v3 =	vand.u32 $0x7, v3;
	v4 =	vand.u32 $0xFFFFFFF0, v63  }
0x99: {  	v3 =	vor.u32 v3, v4  }
0x9a: {  	v4 =	vperm.xlane v3, v0;
	_ =	sdelay $0x1  }
0x9b: {  	v3 =	vperm.xlane v3, v2;
	v4 =	vadd.s32 v1, v4;
	_ =	sdelay $0x1  }
0x9c: {  	v3 =	vadd.s32 v1, v3;
	_ =	sdelay $0x1  }
0x9d: {  	s19 =	simm.s32 $0xB080  }
0x9e: {  	[hbm4b:s3+s4] =	stream.indirect_vreg.scatter [tilespmem:s19], [sflag:$0x2], $0x80, v4, vm0, $0xb8;
	[tilespmem:$0x18200] =	vst v63  }
0x9f: {  	s20 =	simm.s32 $0xB880  }
0xa0: {  	[hbm4b:s3+s4] =	stream.indirect_vreg.scatter [tilespmem:s20], [sflag:$0x2], $0x80, v3, vm0, $0xb8;
	[tilespmem:$0x18200] =	vst v63  }
0xa1: {  	s21 =	simm.s32 $0xC080  }
0xa2: {  	[hbm4b:s5+s7] =	stream.indirect.scatter [tilespmem:s21], [sflag:$0x2], $0x1, s4, s7, $0xb8;
	[tilespmem:$0x18200] =	vst v63  }
0xa3: {  	_ =	swait.ge [sflag:s31], $0x4000  }
0xa4: {  	[sflag:s31] =	ssyncset.done $0x0  }
0xa5: {  	[sflag:s31] =	ssyncadd.s32 $0xFFFFC000  }
0xa6: {  	_ =	swait.ge [sflag:s31], $0x8000  }
0xa7: {  	[sflag:s31] =	ssyncset.done $0x0  }
0xa8: {  	[sflag:s31] =	ssyncadd.s32 $0xFFFF8000  }
0xa9: {  	_ =	swait.ge [sflag:s31], $0x80  }
0xaa: {  	[sflag:s31] =	ssyncset.done $0x0  }
0xab: {  	s22 =	rddreg [dreg:$0xf];
	[sflag:s31] =	ssyncadd.s32 $0xFFFFFF80  }
0xac: {  	[tilespmem:s4], [sflag:$0x1] =	stream.linear.gather [hbm4b:s22+s4], $0x80, $0x38;
	[tilespmem:$0x18200] =	vst v63  }
0xad: {  	s23 =	rddreg [dreg:$0x10]  }
0xae: {  	[tilespmem:s7], [sflag:$0x1] =	stream.linear.gather [hbm4b:s23+s4], $0x4000, $0x38;
	[tilespmem:$0x18200] =	vst v63  }
0xaf: {  	s24 =	rddreg [dreg:$0x11]  }
0xb0: {  	[tilespmem:s9], [sflag:$0x1] =	stream.linear.gather [hbm4b:s24+s4], $0x8000, $0x38;
	[tilespmem:$0x18200] =	vst v63  }
0xb1: {  	s25 =	rddreg [dreg:$0x12]  }
0xb2: {  	[tilespmem:s21], [sflag:$0x1] =	stream.linear.gather [hbm4b:s25+s4], $0x80, $0x38;
	[tilespmem:$0x18200] =	vst v63  }
0xb3: {  	_ =	swait.ge [sflag:s14], $0x80  }
0xb4: {  	[sflag:s14] =	ssyncset.done $0x0  }
0xb5: {  	[sflag:s14] =	ssyncadd.s32 $0xFFFFFF80  }
0xb6: {  	_ =	swait.ge [sflag:s14], $0x4000  }
0xb7: {  	[sflag:s14] =	ssyncset.done $0x0  }
0xb8: {  	[sflag:s14] =	ssyncadd.s32 $0xFFFFC000  }
0xb9: {  	_ =	swait.ge [sflag:s14], $0x8000  }
0xba: {  	[sflag:s14] =	ssyncset.done $0x0  }
0xbb: {  	[sflag:s14] =	ssyncadd.s32 $0xFFFF8000  }
0xbc: {  	_ =	swait.ge [sflag:s14], $0x80  }
0xbd: {  	[sflag:s14] =	ssyncset.done $0x0  }
0xbe: {  	s11 =	simm.s32 $0xC180;
	[sflag:s14] =	ssyncadd.s32 $0xFFFFFF80  }
0xbf: {  	[hbm4b:s10+s7] =	stream.indirect.scatter [tilespmem:s11], [sflag:$0x2], $0x80, s18, s7, $0xb8;
	[tilespmem:$0x18200] =	vst v63  }
0xc0: {  	v3 =	vld [tilespmem:$0xC100];
	_ =	sdelay $0x4  }
0xc1: {  	v8 =	vshll.u32 v3, $0x1  }
0xc2: {  	v3 =	vand.u32 $0x7, v3;
	v4 =	vand.u32 $0xFFFFFFF0, v8  }
0xc3: {  	v3 =	vor.u32 v3, v4  }
0xc4: {  	v4 =	vperm.xlane v3, v0;
	_ =	sdelay $0x1  }
0xc5: {  	v3 =	vperm.xlane v3, v2;
	v4 =	vadd.s32 v1, v4;
	_ =	sdelay $0x1  }
0xc6: {  	v3 =	vadd.s32 v1, v3;
	_ =	sdelay $0x1  }
0xc7: {  	s8 =	simm.s32 $0x10180  }
0xc8: {  	[hbm4b:s3+s4] =	stream.indirect_vreg.scatter [tilespmem:s8], [sflag:$0x2], $0x80, v4, vm0, $0xb8;
	[tilespmem:$0x18200] =	vst v63  }
0xc9: {  	s26 =	simm.s32 $0x10980  }
0xca: {  	[hbm4b:s3+s4] =	stream.indirect_vreg.scatter [tilespmem:s26], [sflag:$0x2], $0x80, v3, vm0, $0xb8;
	[tilespmem:$0x18200] =	vst v63  }
0xcb: {  	v3 =	vld [tilespmem:$0xC110];
	_ =	sdelay $0x4  }
0xcc: {  	v9 =	vshll.u32 v3, $0x1  }
0xcd: {  	v3 =	vand.u32 $0x7, v3;
	v4 =	vand.u32 $0xFFFFFFF0, v9  }
0xce: {  	v3 =	vor.u32 v3, v4  }
0xcf: {  	v4 =	vperm.xlane v3, v0;
	_ =	sdelay $0x1  }
0xd0: {  	v3 =	vperm.xlane v3, v2;
	v4 =	vadd.s32 v1, v4;
	_ =	sdelay $0x1  }
0xd1: {  	v3 =	vadd.s32 v1, v3;
	_ =	sdelay $0x1  }
0xd2: {  	s28 =	simm.s32 $0x11180  }
0xd3: {  	[hbm4b:s3+s4] =	stream.indirect_vreg.scatter [tilespmem:s28], [sflag:$0x2], $0x80, v4, vm0, $0xb8;
	[tilespmem:$0x18200] =	vst v63  }
0xd4: {  	s29 =	simm.s32 $0x11980  }
0xd5: {  	[hbm4b:s3+s4] =	stream.indirect_vreg.scatter [tilespmem:s29], [sflag:$0x2], $0x80, v3, vm0, $0xb8;
	[tilespmem:$0x18200] =	vst v63  }
0xd6: {  	v3 =	vld [tilespmem:$0xC120];
	_ =	sdelay $0x4  }
0xd7: {  	v10 =	vshll.u32 v3, $0x1  }
0xd8: {  	v3 =	vand.u32 $0x7, v3;
	v4 =	vand.u32 $0xFFFFFFF0, v10  }
0xd9: {  	v3 =	vor.u32 v3, v4  }
0xda: {  	v4 =	vperm.xlane v3, v0;
	_ =	sdelay $0x1  }
0xdb: {  	v3 =	vperm.xlane v3, v2;
	v4 =	vadd.s32 v1, v4;
	_ =	sdelay $0x1  }
0xdc: {  	v3 =	vadd.s32 v1, v3;
	_ =	sdelay $0x1  }
0xdd: {  	s30 =	simm.s32 $0x12180  }
0xde: {  	[hbm4b:s3+s4] =	stream.indirect_vreg.scatter [tilespmem:s30], [sflag:$0x2], $0x80, v4, vm0, $0xb8;
	[tilespmem:$0x18200] =	vst v63  }
0xdf: {  	s17 =	simm.s32 $0x12980  }
0xe0: {  	[hbm4b:s3+s4] =	stream.indirect_vreg.scatter [tilespmem:s17], [sflag:$0x2], $0x80, v3, vm0, $0xb8;
	[tilespmem:$0x18200] =	vst v63  }
0xe1: {  	v3 =	vld [tilespmem:$0xC130];
	_ =	sdelay $0x4  }
0xe2: {  	v11 =	vshll.u32 v3, $0x1  }
0xe3: {  	v3 =	vand.u32 $0x7, v3;
	v4 =	vand.u32 $0xFFFFFFF0, v11  }
0xe4: {  	v3 =	vor.u32 v3, v4  }
0xe5: {  	v4 =	vperm.xlane v3, v0;
	_ =	sdelay $0x1  }
0xe6: {  	v3 =	vperm.xlane v3, v2;
	v4 =	vadd.s32 v1, v4;
	_ =	sdelay $0x1  }
0xe7: {  	v3 =	vadd.s32 v1, v3;
	_ =	sdelay $0x1  }
0xe8: {  	s19 =	simm.s32 $0x13180  }
0xe9: {  	[hbm4b:s3+s4] =	stream.indirect_vreg.scatter [tilespmem:s19], [sflag:$0x2], $0x80, v4, vm0, $0xb8;
	[tilespmem:$0x18200] =	vst v63  }
0xea: {  	s24 =	simm.s32 $0x13980  }
0xeb: {  	[hbm4b:s3+s4] =	stream.indirect_vreg.scatter [tilespmem:s24], [sflag:$0x2], $0x80, v3, vm0, $0xb8;
	[tilespmem:$0x18200] =	vst v63  }
0xec: {  	v3 =	vld [tilespmem:$0xC140];
	_ =	sdelay $0x4  }
0xed: {  	v12 =	vshll.u32 v3, $0x1  }
0xee: {  	v3 =	vand.u32 $0x7, v3;
	v4 =	vand.u32 $0xFFFFFFF0, v12  }
0xef: {  	v3 =	vor.u32 v3, v4  }
0xf0: {  	v4 =	vperm.xlane v3, v0;
	_ =	sdelay $0x1  }
0xf1: {  	v3 =	vperm.xlane v3, v2;
	v4 =	vadd.s32 v1, v4;
	_ =	sdelay $0x1  }
0xf2: {  	v3 =	vadd.s32 v1, v3;
	_ =	sdelay $0x1  }
0xf3: {  	s25 =	simm.s32 $0x14180  }
0xf4: {  	[hbm4b:s3+s4] =	stream.indirect_vreg.scatter [tilespmem:s25], [sflag:$0x2], $0x80, v4, vm0, $0xb8;
	[tilespmem:$0x18200] =	vst v63  }
0xf5: {  	s26 =	simm.s32 $0x14980  }
0xf6: {  	[hbm4b:s3+s4] =	stream.indirect_vreg.scatter [tilespmem:s26], [sflag:$0x2], $0x80, v3, vm0, $0xb8;
	[tilespmem:$0x18200] =	vst v63  }
0xf7: {  	v3 =	vld [tilespmem:$0xC150];
	_ =	sdelay $0x4  }
0xf8: {  	v13 =	vshll.u32 v3, $0x1  }
0xf9: {  	v3 =	vand.u32 $0x7, v3;
	v4 =	vand.u32 $0xFFFFFFF0, v13  }
0xfa: {  	v3 =	vor.u32 v3, v4  }
0xfb: {  	v4 =	vperm.xlane v3, v0;
	_ =	sdelay $0x1  }
0xfc: {  	v3 =	vperm.xlane v3, v2;
	v4 =	vadd.s32 v1, v4;
	_ =	sdelay $0x1  }
0xfd: {  	v3 =	vadd.s32 v1, v3;
	_ =	sdelay $0x1  }
0xfe: {  	s28 =	simm.s32 $0x15180  }
0xff: {  	[hbm4b:s3+s4] =	stream.indirect_vreg.scatter [tilespmem:s28], [sflag:$0x2], $0x80, v4, vm0, $0xb8;
	[tilespmem:$0x18200] =	vst v63  }
0x100: {  	s29 =	simm.s32 $0x15980  }
0x101: {  	[hbm4b:s3+s4] =	stream.indirect_vreg.scatter [tilespmem:s29], [sflag:$0x2], $0x80, v3, vm0, $0xb8;
	[tilespmem:$0x18200] =	vst v63  }
0x102: {  	v3 =	vld [tilespmem:$0xC160];
	_ =	sdelay $0x4  }
0x103: {  	v14 =	vshll.u32 v3, $0x1  }
0x104: {  	v3 =	vand.u32 $0x7, v3;
	v4 =	vand.u32 $0xFFFFFFF0, v14  }
0x105: {  	v3 =	vor.u32 v3, v4  }
0x106: {  	v4 =	vperm.xlane v3, v0;
	_ =	sdelay $0x1  }
0x107: {  	v3 =	vperm.xlane v3, v2;
	v4 =	vadd.s32 v1, v4;
	_ =	sdelay $0x1  }
0x108: {  	v3 =	vadd.s32 v1, v3;
	_ =	sdelay $0x1  }
0x109: {  	s30 =	simm.s32 $0x16180  }
0x10a: {  	[hbm4b:s3+s4] =	stream.indirect_vreg.scatter [tilespmem:s30], [sflag:$0x2], $0x80, v4, vm0, $0xb8;
	[tilespmem:$0x18200] =	vst v63  }
0x10b: {  	s17 =	simm.s32 $0x16980  }
0x10c: {  	[hbm4b:s3+s4] =	stream.indirect_vreg.scatter [tilespmem:s17], [sflag:$0x2], $0x80, v3, vm0, $0xb8;
	[tilespmem:$0x18200] =	vst v63  }
0x10d: {  	v3 =	vld [tilespmem:$0xC170];
	_ =	sdelay $0x4  }
0x10e: {  	v15 =	vshll.u32 v3, $0x1  }
0x10f: {  	v3 =	vand.u32 $0x7, v3;
	v4 =	vand.u32 $0xFFFFFFF0, v15  }
0x110: {  	v3 =	vor.u32 v3, v4  }
0x111: {  	v4 =	vperm.xlane v3, v0;
	_ =	sdelay $0x1  }
0x112: {  	v3 =	vperm.xlane v3, v2;
	v4 =	vadd.s32 v1, v4;
	_ =	sdelay $0x1  }
0x113: {  	v3 =	vadd.s32 v1, v3;
	_ =	sdelay $0x1  }
0x114: {  	s19 =	simm.s32 $0x17180  }
0x115: {  	[hbm4b:s3+s4] =	stream.indirect_vreg.scatter [tilespmem:s19], [sflag:$0x2], $0x80, v4, vm0, $0xb8;
	[tilespmem:$0x18200] =	vst v63  }
0x116: {  	s26 =	simm.s32 $0x17980  }
0x117: {  	[hbm4b:s3+s4] =	stream.indirect_vreg.scatter [tilespmem:s26], [sflag:$0x2], $0x80, v3, vm0, $0xb8;
	[tilespmem:$0x18200] =	vst v63  }
0x118: {  	s0 =	simm.s32 $0x18180  }
0x119: {  	[hbm4b:s5+s7] =	stream.indirect.scatter [tilespmem:s0], [sflag:$0x2], $0x1, s18, s7, $0xb8;
	[tilespmem:$0x18200] =	vst v63  }
0x11a: {  	_ =	swait.ge [sflag:s31], $0x4000  }
0x11b: {  	[sflag:s31] =	ssyncset.done $0x0  }
0x11c: {  	[sflag:s31] =	ssyncadd.s32 $0xFFFFC000  }
0x11d: {  	_ =	swait.ge [sflag:s31], $0x8000  }
0x11e: {  	[sflag:s31] =	ssyncset.done $0x0  }
0x11f: {  	[sflag:s31] =	ssyncadd.s32 $0xFFFF8000  }
0x120: {  	_ =	swait.ge [sflag:s31], $0x80  }
0x121: {  	[sflag:s31] =	ssyncset.done $0x0  }
0x122: {  	s28 =	rddreg [dreg:$0x13];
	[sflag:s31] =	ssyncadd.s32 $0xFFFFFF80  }
0x123: {  	[tilespmem:s18], [sflag:$0x1] =	stream.linear.gather [hbm4b:s28+s4], $0x80, $0x38;
	[tilespmem:$0x18200] =	vst v63  }
0x124: {  	s19 =	rddreg [dreg:$0x14]  }
0x125: {  	[tilespmem:s11], [sflag:$0x1] =	stream.linear.gather [hbm4b:s19+s4], $0x4000, $0x38;
	[tilespmem:$0x18200] =	vst v63  }
0x126: {  	s26 =	rddreg [dreg:$0x15]  }
0x127: {  	[tilespmem:s8], [sflag:$0x1] =	stream.linear.gather [hbm4b:s26+s4], $0x8000, $0x38;
	[tilespmem:$0x18200] =	vst v63  }
0x128: {  	s28 =	rddreg [dreg:$0x16]  }
0x129: {  	[tilespmem:s0], [sflag:$0x1] =	stream.linear.gather [hbm4b:s28+s4], $0x80, $0x38;
	[tilespmem:$0x18200] =	vst v63  }
0x12a: {  	_ =	swait.ge [sflag:s14], $0x80  }
0x12b: {  	[sflag:s14] =	ssyncset.done $0x0  }
0x12c: {  	[sflag:s14] =	ssyncadd.s32 $0xFFFFFF80  }
0x12d: {  	_ =	swait.ge [sflag:s14], $0x4000  }
0x12e: {  	[sflag:s14] =	ssyncset.done $0x0  }
0x12f: {  	[sflag:s14] =	ssyncadd.s32 $0xFFFFC000  }
0x130: {  	_ =	swait.ge [sflag:s14], $0x8000  }
0x131: {  	[sflag:s14] =	ssyncset.done $0x0  }
0x132: {  	[sflag:s14] =	ssyncadd.s32 $0xFFFF8000  }
0x133: {  	_ =	swait.ge [sflag:s14], $0x80  }
0x134: {  	[sflag:s14] =	ssyncset.done $0x0  }
0x135: {  	[sflag:s14] =	ssyncadd.s32 $0xFFFFFF80  }
0x136: {  	[hbm4b:s10+s7] =	stream.indirect.scatter [tilespmem:s7], [sflag:$0x2], $0x80, s4, s7, $0xb8;
	[tilespmem:$0x18200] =	vst v63  }
0x137: {  	v3 =	vld [tilespmem:$0x0];
	_ =	sdelay $0x4  }
0x138: {  	v16 =	vshll.u32 v3, $0x1  }
0x139: {  	v3 =	vand.u32 $0x7, v3;
	v4 =	vand.u32 $0xFFFFFFF0, v16  }
0x13a: {  	v3 =	vor.u32 v3, v4  }
0x13b: {  	v4 =	vperm.xlane v3, v0;
	_ =	sdelay $0x1  }
0x13c: {  	v3 =	vperm.xlane v3, v2;
	v4 =	vadd.s32 v1, v4;
	_ =	sdelay $0x1  }
0x13d: {  	v3 =	vadd.s32 v1, v3;
	_ =	sdelay $0x2  }
0x13e: {  	[hbm4b:s3+s4] =	stream.indirect_vreg.scatter [tilespmem:s9], [sflag:$0x2], $0x80, v4, vm0, $0xb8;
	[tilespmem:$0x18200] =	vst v63  }
0x13f: {  	s12 =	simm.s32 $0x4880  }
0x140: {  	[hbm4b:s3+s4] =	stream.indirect_vreg.scatter [tilespmem:s12], [sflag:$0x2], $0x80, v3, vm0, $0xb8;
	[tilespmem:$0x18200] =	vst v63  }
0x141: {  	v3 =	vld [tilespmem:$0x10];
	_ =	sdelay $0x4  }
0x142: {  	v17 =	vshll.u32 v3, $0x1  }
0x143: {  	v3 =	vand.u32 $0x7, v3;
	v4 =	vand.u32 $0xFFFFFFF0, v17  }
0x144: {  	v3 =	vor.u32 v3, v4  }
0x145: {  	v4 =	vperm.xlane v3, v0;
	_ =	sdelay $0x1  }
0x146: {  	v3 =	vperm.xlane v3, v2;
	v4 =	vadd.s32 v1, v4;
	_ =	sdelay $0x1  }
0x147: {  	v3 =	vadd.s32 v1, v3;
	_ =	sdelay $0x1  }
0x148: {  	s29 =	simm.s32 $0x5080  }
0x149: {  	[hbm4b:s3+s4] =	stream.indirect_vreg.scatter [tilespmem:s29], [sflag:$0x2], $0x80, v4, vm0, $0xb8;
	[tilespmem:$0x18200] =	vst v63  }
0x14a: {  	s2 =	simm.s32 $0x5880  }
0x14b: {  	[hbm4b:s3+s4] =	stream.indirect_vreg.scatter [tilespmem:s2], [sflag:$0x2], $0x80, v3, vm0, $0xb8;
	[tilespmem:$0x18200] =	vst v63  }
0x14c: {  	v3 =	vld [tilespmem:$0x20];
	_ =	sdelay $0x4  }
0x14d: {  	v18 =	vshll.u32 v3, $0x1  }
0x14e: {  	v3 =	vand.u32 $0x7, v3;
	v4 =	vand.u32 $0xFFFFFFF0, v18  }
0x14f: {  	v3 =	vor.u32 v3, v4  }
0x150: {  	v4 =	vperm.xlane v3, v0;
	_ =	sdelay $0x1  }
0x151: {  	v3 =	vperm.xlane v3, v2;
	v4 =	vadd.s32 v1, v4;
	_ =	sdelay $0x1  }
0x152: {  	v3 =	vadd.s32 v1, v3;
	_ =	sdelay $0x1  }
0x153: {  	s26 =	simm.s32 $0x6080  }
0x154: {  	[hbm4b:s3+s4] =	stream.indirect_vreg.scatter [tilespmem:s26], [sflag:$0x2], $0x80, v4, vm0, $0xb8;
	[tilespmem:$0x18200] =	vst v63  }
0x155: {  	s13 =	simm.s32 $0x6880  }
0x156: {  	[hbm4b:s3+s4] =	stream.indirect_vreg.scatter [tilespmem:s13], [sflag:$0x2], $0x80, v3, vm0, $0xb8;
	[tilespmem:$0x18200] =	vst v63  }
0x157: {  	v3 =	vld [tilespmem:$0x30];
	_ =	sdelay $0x4  }
0x158: {  	v19 =	vshll.u32 v3, $0x1  }
0x159: {  	v3 =	vand.u32 $0x7, v3;
	v4 =	vand.u32 $0xFFFFFFF0, v19  }
0x15a: {  	v3 =	vor.u32 v3, v4  }
0x15b: {  	v4 =	vperm.xlane v3, v0;
	_ =	sdelay $0x1  }
0x15c: {  	v3 =	vperm.xlane v3, v2;
	v4 =	vadd.s32 v1, v4;
	_ =	sdelay $0x1  }
0x15d: {  	v3 =	vadd.s32 v1, v3;
	_ =	sdelay $0x1  }
0x15e: {  	s12 =	simm.s32 $0x7080  }
0x15f: {  	[hbm4b:s3+s4] =	stream.indirect_vreg.scatter [tilespmem:s12], [sflag:$0x2], $0x80, v4, vm0, $0xb8;
	[tilespmem:$0x18200] =	vst v63  }
0x160: {  	s15 =	simm.s32 $0x7880  }
0x161: {  	[hbm4b:s3+s4] =	stream.indirect_vreg.scatter [tilespmem:s15], [sflag:$0x2], $0x80, v3, vm0, $0xb8;
	[tilespmem:$0x18200] =	vst v63  }
0x162: {  	v3 =	vld [tilespmem:$0x40];
	_ =	sdelay $0x4  }
0x163: {  	v20 =	vshll.u32 v3, $0x1  }
0x164: {  	v3 =	vand.u32 $0x7, v3;
	v4 =	vand.u32 $0xFFFFFFF0, v20  }
0x165: {  	v3 =	vor.u32 v3, v4  }
0x166: {  	v4 =	vperm.xlane v3, v0;
	_ =	sdelay $0x1  }
0x167: {  	v3 =	vperm.xlane v3, v2;
	v4 =	vadd.s32 v1, v4;
	_ =	sdelay $0x1  }
0x168: {  	v3 =	vadd.s32 v1, v3;
	_ =	sdelay $0x1  }
0x169: {  	s13 =	simm.s32 $0x8080  }
0x16a: {  	[hbm4b:s3+s4] =	stream.indirect_vreg.scatter [tilespmem:s13], [sflag:$0x2], $0x80, v4, vm0, $0xb8;
	[tilespmem:$0x18200] =	vst v63  }
0x16b: {  	s16 =	simm.s32 $0x8880  }
0x16c: {  	[hbm4b:s3+s4] =	stream.indirect_vreg.scatter [tilespmem:s16], [sflag:$0x2], $0x80, v3, vm0, $0xb8;
	[tilespmem:$0x18200] =	vst v63  }
0x16d: {  	v3 =	vld [tilespmem:$0x50];
	_ =	sdelay $0x4  }
0x16e: {  	v21 =	vshll.u32 v3, $0x1  }
0x16f: {  	v3 =	vand.u32 $0x7, v3;
	v4 =	vand.u32 $0xFFFFFFF0, v21  }
0x170: {  	v3 =	vor.u32 v3, v4  }
0x171: {  	v4 =	vperm.xlane v3, v0;
	_ =	sdelay $0x1  }
0x172: {  	v3 =	vperm.xlane v3, v2;
	v4 =	vadd.s32 v1, v4;
	_ =	sdelay $0x1  }
0x173: {  	v3 =	vadd.s32 v1, v3;
	_ =	sdelay $0x1  }
0x174: {  	s15 =	simm.s32 $0x9080  }
0x175: {  	[hbm4b:s3+s4] =	stream.indirect_vreg.scatter [tilespmem:s15], [sflag:$0x2], $0x80, v4, vm0, $0xb8;
	[tilespmem:$0x18200] =	vst v63  }
0x176: {  	s1 =	simm.s32 $0x9880  }
0x177: {  	[hbm4b:s3+s4] =	stream.indirect_vreg.scatter [tilespmem:s1], [sflag:$0x2], $0x80, v3, vm0, $0xb8;
	[tilespmem:$0x18200] =	vst v63  }
0x178: {  	v3 =	vld [tilespmem:$0x60];
	_ =	sdelay $0x4  }
0x179: {  	v22 =	vshll.u32 v3, $0x1  }
0x17a: {  	v3 =	vand.u32 $0x7, v3;
	v4 =	vand.u32 $0xFFFFFFF0, v22  }
0x17b: {  	v3 =	vor.u32 v3, v4  }
0x17c: {  	v4 =	vperm.xlane v3, v0;
	_ =	sdelay $0x1  }
0x17d: {  	v3 =	vperm.xlane v3, v2;
	v4 =	vadd.s32 v1, v4;
	_ =	sdelay $0x1  }
0x17e: {  	v3 =	vadd.s32 v1, v3;
	_ =	sdelay $0x1  }
0x17f: {  	s16 =	simm.s32 $0xA080  }
0x180: {  	[hbm4b:s3+s4] =	stream.indirect_vreg.scatter [tilespmem:s16], [sflag:$0x2], $0x80, v4, vm0, $0xb8;
	[tilespmem:$0x18200] =	vst v63  }
0x181: {  	s19 =	simm.s32 $0xA880  }
0x182: {  	[hbm4b:s3+s4] =	stream.indirect_vreg.scatter [tilespmem:s19], [sflag:$0x2], $0x80, v3, vm0, $0xb8;
	[tilespmem:$0x18200] =	vst v63  }
0x183: {  	v3 =	vld [tilespmem:$0x70];
	_ =	sdelay $0x4  }
0x184: {  	v23 =	vshll.u32 v3, $0x1  }
0x185: {  	v3 =	vand.u32 $0x7, v3;
	v4 =	vand.u32 $0xFFFFFFF0, v23  }
0x186: {  	v3 =	vor.u32 v3, v4  }
0x187: {  	v4 =	vperm.xlane v3, v0;
	_ =	sdelay $0x1  }
0x188: {  	v3 =	vperm.xlane v3, v2;
	v4 =	vadd.s32 v1, v4;
	_ =	sdelay $0x1  }
0x189: {  	v3 =	vadd.s32 v1, v3;
	_ =	sdelay $0x1  }
0x18a: {  	s30 =	simm.s32 $0xB080  }
0x18b: {  	[hbm4b:s3+s4] =	stream.indirect_vreg.scatter [tilespmem:s30], [sflag:$0x2], $0x80, v4, vm0, $0xb8;
	[tilespmem:$0x18200] =	vst v63  }
0x18c: {  	s20 =	simm.s32 $0xB880  }
0x18d: {  	[hbm4b:s3+s4] =	stream.indirect_vreg.scatter [tilespmem:s20], [sflag:$0x2], $0x80, v3, vm0, $0xb8;
	[tilespmem:$0x18200] =	vst v63  }
0x18e: {  	s1 =	simm.s32 $0xC080  }
0x18f: {  	[hbm4b:s5+s7] =	stream.indirect.scatter [tilespmem:s1], [sflag:$0x2], $0x1, s4, s7, $0xb8;
	[tilespmem:$0x18200] =	vst v63  }
0x190: {  	_ =	swait.ge [sflag:s31], $0x4000  }
0x191: {  	[sflag:s31] =	ssyncset.done $0x0  }
0x192: {  	[sflag:s31] =	ssyncadd.s32 $0xFFFFC000  }
0x193: {  	_ =	swait.ge [sflag:s31], $0x8000  }
0x194: {  	[sflag:s31] =	ssyncset.done $0x0  }
0x195: {  	[sflag:s31] =	ssyncadd.s32 $0xFFFF8000  }
0x196: {  	_ =	swait.ge [sflag:s31], $0x80  }
0x197: {  	[sflag:s31] =	ssyncset.done $0x0  }
0x198: {  	s2 =	rddreg [dreg:$0x17];
	[sflag:s31] =	ssyncadd.s32 $0xFFFFFF80  }
0x199: {  	[tilespmem:s4], [sflag:$0x1] =	stream.linear.gather [hbm4b:s2+s4], $0x80, $0x38;
	[tilespmem:$0x18200] =	vst v63  }
0x19a: {  	s11 =	rddreg [dreg:$0x18]  }
0x19b: {  	[tilespmem:s7], [sflag:$0x1] =	stream.linear.gather [hbm4b:s11+s4], $0x4000, $0x38;
	[tilespmem:$0x18200] =	vst v63  }
0x19c: {  	s20 =	rddreg [dreg:$0x19]  }
0x19d: {  	[tilespmem:s9], [sflag:$0x1] =	stream.linear.gather [hbm4b:s20+s4], $0x8000, $0x38;
	[tilespmem:$0x18200] =	vst v63  }
0x19e: {  	s28 =	rddreg [dreg:$0x1a]  }
0x19f: {  	[tilespmem:s1], [sflag:$0x1] =	stream.linear.gather [hbm4b:s28+s4], $0x80, $0x38;
	[tilespmem:$0x18200] =	vst v63  }
0x1a0: {  	_ =	swait.ge [sflag:s14], $0x80  }
0x1a1: {  	[sflag:s14] =	ssyncset.done $0x0  }
0x1a2: {  	[sflag:s14] =	ssyncadd.s32 $0xFFFFFF80  }
0x1a3: {  	_ =	swait.ge [sflag:s14], $0x4000  }
0x1a4: {  	[sflag:s14] =	ssyncset.done $0x0  }
0x1a5: {  	[sflag:s14] =	ssyncadd.s32 $0xFFFFC000  }
0x1a6: {  	_ =	swait.ge [sflag:s14], $0x8000  }
0x1a7: {  	[sflag:s14] =	ssyncset.done $0x0  }
0x1a8: {  	[sflag:s14] =	ssyncadd.s32 $0xFFFF8000  }
0x1a9: {  	_ =	swait.ge [sflag:s14], $0x80  }
0x1aa: {  	[sflag:s14] =	ssyncset.done $0x0  }
0x1ab: {  	s0 =	simm.s32 $0xC180;
	[sflag:s14] =	ssyncadd.s32 $0xFFFFFF80  }
0x1ac: {  	[hbm4b:s10+s7] =	stream.indirect.scatter [tilespmem:s0], [sflag:$0x2], $0x80, s18, s7, $0xb8;
	[tilespmem:$0x18200] =	vst v63  }
0x1ad: {  	v3 =	vld [tilespmem:$0xC100];
	_ =	sdelay $0x4  }
0x1ae: {  	v24 =	vshll.u32 v3, $0x1  }
0x1af: {  	v3 =	vand.u32 $0x7, v3;
	v4 =	vand.u32 $0xFFFFFFF0, v24  }
0x1b0: {  	v3 =	vor.u32 v3, v4  }
0x1b1: {  	v4 =	vperm.xlane v3, v0;
	_ =	sdelay $0x1  }
0x1b2: {  	v3 =	vperm.xlane v3, v2;
	v4 =	vadd.s32 v1, v4;
	_ =	sdelay $0x1  }
0x1b3: {  	v3 =	vadd.s32 v1, v3;
	_ =	sdelay $0x1  }
0x1b4: {  	s1 =	smov.u32 s10;
	s10 =	simm.s32 $0x10180  }
0x1b5: {  	[hbm4b:s3+s4] =	stream.indirect_vreg.scatter [tilespmem:s10], [sflag:$0x2], $0x80, v4, vm0, $0xb8;
	[tilespmem:$0x18200] =	vst v63  }
0x1b6: {  	s21 =	simm.s32 $0x10980  }
0x1b7: {  	[hbm4b:s3+s4] =	stream.indirect_vreg.scatter [tilespmem:s21], [sflag:$0x2], $0x80, v3, vm0, $0xb8;
	[tilespmem:$0x18200] =	vst v63  }
0x1b8: {  	v3 =	vld [tilespmem:$0xC110];
	_ =	sdelay $0x4  }
0x1b9: {  	v25 =	vshll.u32 v3, $0x1  }
0x1ba: {  	v3 =	vand.u32 $0x7, v3;
	v4 =	vand.u32 $0xFFFFFFF0, v25  }
0x1bb: {  	v3 =	vor.u32 v3, v4  }
0x1bc: {  	v4 =	vperm.xlane v3, v0;
	_ =	sdelay $0x1  }
0x1bd: {  	v3 =	vperm.xlane v3, v2;
	v4 =	vadd.s32 v1, v4;
	_ =	sdelay $0x1  }
0x1be: {  	v3 =	vadd.s32 v1, v3;
	_ =	sdelay $0x1  }
0x1bf: {  	s20 =	simm.s32 $0x11180  }
0x1c0: {  	[hbm4b:s3+s4] =	stream.indirect_vreg.scatter [tilespmem:s20], [sflag:$0x2], $0x80, v4, vm0, $0xb8;
	[tilespmem:$0x18200] =	vst v63  }
0x1c1: {  	s22 =	simm.s32 $0x11980  }
0x1c2: {  	[hbm4b:s3+s4] =	stream.indirect_vreg.scatter [tilespmem:s22], [sflag:$0x2], $0x80, v3, vm0, $0xb8;
	[tilespmem:$0x18200] =	vst v63  }
0x1c3: {  	v3 =	vld [tilespmem:$0xC120];
	_ =	sdelay $0x4  }
0x1c4: {  	v26 =	vshll.u32 v3, $0x1  }
0x1c5: {  	v3 =	vand.u32 $0x7, v3;
	v4 =	vand.u32 $0xFFFFFFF0, v26  }
0x1c6: {  	v3 =	vor.u32 v3, v4  }
0x1c7: {  	v4 =	vperm.xlane v3, v0;
	_ =	sdelay $0x1  }
0x1c8: {  	v3 =	vperm.xlane v3, v2;
	v4 =	vadd.s32 v1, v4;
	_ =	sdelay $0x1  }
0x1c9: {  	v3 =	vadd.s32 v1, v3;
	_ =	sdelay $0x1  }
0x1ca: {  	s21 =	simm.s32 $0x12180  }
0x1cb: {  	[hbm4b:s3+s4] =	stream.indirect_vreg.scatter [tilespmem:s21], [sflag:$0x2], $0x80, v4, vm0, $0xb8;
	[tilespmem:$0x18200] =	vst v63  }
0x1cc: {  	s23 =	simm.s32 $0x12980  }
0x1cd: {  	[hbm4b:s3+s4] =	stream.indirect_vreg.scatter [tilespmem:s23], [sflag:$0x2], $0x80, v3, vm0, $0xb8;
	[tilespmem:$0x18200] =	vst v63  }
0x1ce: {  	v3 =	vld [tilespmem:$0xC130];
	_ =	sdelay $0x4  }
0x1cf: {  	v27 =	vshll.u32 v3, $0x1  }
0x1d0: {  	v3 =	vand.u32 $0x7, v3;
	v4 =	vand.u32 $0xFFFFFFF0, v27  }
0x1d1: {  	v3 =	vor.u32 v3, v4  }
0x1d2: {  	v4 =	vperm.xlane v3, v0;
	_ =	sdelay $0x1  }
0x1d3: {  	v3 =	vperm.xlane v3, v2;
	v4 =	vadd.s32 v1, v4;
	_ =	sdelay $0x1  }
0x1d4: {  	v3 =	vadd.s32 v1, v3;
	_ =	sdelay $0x1  }
0x1d5: {  	s22 =	simm.s32 $0x13180  }
0x1d6: {  	[hbm4b:s3+s4] =	stream.indirect_vreg.scatter [tilespmem:s22], [sflag:$0x2], $0x80, v4, vm0, $0xb8;
	[tilespmem:$0x18200] =	vst v63  }
0x1d7: {  	s24 =	simm.s32 $0x13980  }
0x1d8: {  	[hbm4b:s3+s4] =	stream.indirect_vreg.scatter [tilespmem:s24], [sflag:$0x2], $0x80, v3, vm0, $0xb8;
	[tilespmem:$0x18200] =	vst v63  }
0x1d9: {  	v3 =	vld [tilespmem:$0xC140];
	_ =	sdelay $0x4  }
0x1da: {  	v28 =	vshll.u32 v3, $0x1  }
0x1db: {  	v3 =	vand.u32 $0x7, v3;
	v4 =	vand.u32 $0xFFFFFFF0, v28  }
0x1dc: {  	v3 =	vor.u32 v3, v4  }
0x1dd: {  	v4 =	vperm.xlane v3, v0;
	_ =	sdelay $0x1  }
0x1de: {  	v3 =	vperm.xlane v3, v2;
	v4 =	vadd.s32 v1, v4;
	_ =	sdelay $0x1  }
0x1df: {  	v3 =	vadd.s32 v1, v3;
	_ =	sdelay $0x1  }
0x1e0: {  	s23 =	simm.s32 $0x14180  }
0x1e1: {  	[hbm4b:s3+s4] =	stream.indirect_vreg.scatter [tilespmem:s23], [sflag:$0x2], $0x80, v4, vm0, $0xb8;
	[tilespmem:$0x18200] =	vst v63  }
0x1e2: {  	s25 =	simm.s32 $0x14980  }
0x1e3: {  	[hbm4b:s3+s4] =	stream.indirect_vreg.scatter [tilespmem:s25], [sflag:$0x2], $0x80, v3, vm0, $0xb8;
	[tilespmem:$0x18200] =	vst v63  }
0x1e4: {  	v3 =	vld [tilespmem:$0xC150];
	_ =	sdelay $0x4  }
0x1e5: {  	v29 =	vshll.u32 v3, $0x1  }
0x1e6: {  	v3 =	vand.u32 $0x7, v3;
	v4 =	vand.u32 $0xFFFFFFF0, v29  }
0x1e7: {  	v3 =	vor.u32 v3, v4  }
0x1e8: {  	v4 =	vperm.xlane v3, v0;
	_ =	sdelay $0x1  }
0x1e9: {  	v3 =	vperm.xlane v3, v2;
	v4 =	vadd.s32 v1, v4;
	_ =	sdelay $0x1  }
0x1ea: {  	v3 =	vadd.s32 v1, v3;
	_ =	sdelay $0x1  }
0x1eb: {  	s24 =	simm.s32 $0x15180  }
0x1ec: {  	[hbm4b:s3+s4] =	stream.indirect_vreg.scatter [tilespmem:s24], [sflag:$0x2], $0x80, v4, vm0, $0xb8;
	[tilespmem:$0x18200] =	vst v63  }
0x1ed: {  	s28 =	simm.s32 $0x15980  }
0x1ee: {  	[hbm4b:s3+s4] =	stream.indirect_vreg.scatter [tilespmem:s28], [sflag:$0x2], $0x80, v3, vm0, $0xb8;
	[tilespmem:$0x18200] =	vst v63  }
0x1ef: {  	v3 =	vld [tilespmem:$0xC160];
	_ =	sdelay $0x4  }
0x1f0: {  	v30 =	vshll.u32 v3, $0x1  }
0x1f1: {  	v3 =	vand.u32 $0x7, v3;
	v4 =	vand.u32 $0xFFFFFFF0, v30  }
0x1f2: {  	v3 =	vor.u32 v3, v4  }
0x1f3: {  	v4 =	vperm.xlane v3, v0;
	_ =	sdelay $0x1  }
0x1f4: {  	v3 =	vperm.xlane v3, v2;
	v4 =	vadd.s32 v1, v4;
	_ =	sdelay $0x1  }
0x1f5: {  	v3 =	vadd.s32 v1, v3;
	_ =	sdelay $0x1  }
0x1f6: {  	s25 =	simm.s32 $0x16180  }
0x1f7: {  	[hbm4b:s3+s4] =	stream.indirect_vreg.scatter [tilespmem:s25], [sflag:$0x2], $0x80, v4, vm0, $0xb8;
	[tilespmem:$0x18200] =	vst v63  }
0x1f8: {  	s30 =	simm.s32 $0x16980  }
0x1f9: {  	[hbm4b:s3+s4] =	stream.indirect_vreg.scatter [tilespmem:s30], [sflag:$0x2], $0x80, v3, vm0, $0xb8;
	[tilespmem:$0x18200] =	vst v63  }
0x1fa: {  	v3 =	vld [tilespmem:$0xC170];
	_ =	sdelay $0x4  }
0x1fb: {  	v31 =	vshll.u32 v3, $0x1  }
0x1fc: {  	v3 =	vand.u32 $0x7, v3;
	v4 =	vand.u32 $0xFFFFFFF0, v31  }
0x1fd: {  	v3 =	vor.u32 v3, v4  }
0x1fe: {  	v4 =	vperm.xlane v3, v0;
	_ =	sdelay $0x1  }
0x1ff: {  	v3 =	vperm.xlane v3, v2;
	v4 =	vadd.s32 v1, v4;
	_ =	sdelay $0x1  }
0x200: {  	v3 =	vadd.s32 v1, v3;
	_ =	sdelay $0x1  }
0x201: {  	s17 =	simm.s32 $0x17180  }
0x202: {  	[hbm4b:s3+s4] =	stream.indirect_vreg.scatter [tilespmem:s17], [sflag:$0x2], $0x80, v4, vm0, $0xb8;
	[tilespmem:$0x18200] =	vst v63  }
0x203: {  	s11 =	simm.s32 $0x17980  }
0x204: {  	[hbm4b:s3+s4] =	stream.indirect_vreg.scatter [tilespmem:s11], [sflag:$0x2], $0x80, v3, vm0, $0xb8;
	[tilespmem:$0x18200] =	vst v63  }
0x205: {  	s8 =	simm.s32 $0x18180  }
0x206: {  	[hbm4b:s5+s7] =	stream.indirect.scatter [tilespmem:s8], [sflag:$0x2], $0x1, s18, s7, $0xb8;
	[tilespmem:$0x18200] =	vst v63  }
0x207: {  	_ =	swait.ge [sflag:s31], $0x4000  }
0x208: {  	[sflag:s31] =	ssyncset.done $0x0  }
0x209: {  	[sflag:s31] =	ssyncadd.s32 $0xFFFFC000  }
0x20a: {  	_ =	swait.ge [sflag:s31], $0x8000  }
0x20b: {  	[sflag:s31] =	ssyncset.done $0x0  }
0x20c: {  	[sflag:s31] =	ssyncadd.s32 $0xFFFF8000  }
0x20d: {  	_ =	swait.ge [sflag:s31], $0x80  }
0x20e: {  	[sflag:s31] =	ssyncset.done $0x0  }
0x20f: {  	s2 =	rddreg [dreg:$0x1b];
	[sflag:s31] =	ssyncadd.s32 $0xFFFFFF80  }
0x210: {  	[tilespmem:s18], [sflag:$0x1] =	stream.linear.gather [hbm4b:s2+s4], $0x80, $0x38;
	[tilespmem:$0x18200] =	vst v63  }
0x211: {  	s17 =	rddreg [dreg:$0x1c]  }
0x212: {  	[tilespmem:s0], [sflag:$0x1] =	stream.linear.gather [hbm4b:s17+s4], $0x4000, $0x38;
	[tilespmem:$0x18200] =	vst v63  }
0x213: {  	s2 =	rddreg [dreg:$0x1d]  }
0x214: {  	[tilespmem:s10], [sflag:$0x1] =	stream.linear.gather [hbm4b:s2+s4], $0x8000, $0x38;
	[tilespmem:$0x18200] =	vst v63  }
0x215: {  	s0 =	rddreg [dreg:$0x1e]  }
0x216: {  	[tilespmem:s8], [sflag:$0x1] =	stream.linear.gather [hbm4b:s0+s4], $0x80, $0x38;
	[tilespmem:$0x18200] =	vst v63  }
0x217: {  	_ =	swait.ge [sflag:s14], $0x80  }
0x218: {  	[sflag:s14] =	ssyncset.done $0x0  }
0x219: {  	[sflag:s14] =	ssyncadd.s32 $0xFFFFFF80  }
0x21a: {  	_ =	swait.ge [sflag:s14], $0x4000  }
0x21b: {  	[sflag:s14] =	ssyncset.done $0x0  }
0x21c: {  	[sflag:s14] =	ssyncadd.s32 $0xFFFFC000  }
0x21d: {  	_ =	swait.ge [sflag:s14], $0x8000  }
0x21e: {  	[sflag:s14] =	ssyncset.done $0x0  }
0x21f: {  	[sflag:s14] =	ssyncadd.s32 $0xFFFF8000  }
0x220: {  	_ =	swait.ge [sflag:s14], $0x80  }
0x221: {  	[sflag:s14] =	ssyncset.done $0x0  }
0x222: {  	[sflag:s14] =	ssyncadd.s32 $0xFFFFFF80  }
0x223: {  	[hbm4b:s1+s7] =	stream.indirect.scatter [tilespmem:s7], [sflag:$0x2], $0x80, s4, s7, $0xb8;
	[tilespmem:$0x18200] =	vst v63  }
0x224: {  	v3 =	vld [tilespmem:$0x0];
	_ =	sdelay $0x4  }
0x225: {  	v32 =	vshll.u32 v3, $0x1  }
0x226: {  	v3 =	vand.u32 $0x7, v3;
	v4 =	vand.u32 $0xFFFFFFF0, v32  }
0x227: {  	v3 =	vor.u32 v3, v4  }
0x228: {  	v4 =	vperm.xlane v3, v0;
	_ =	sdelay $0x1  }
0x229: {  	v3 =	vperm.xlane v3, v2;
	v4 =	vadd.s32 v1, v4;
	_ =	sdelay $0x1  }
0x22a: {  	v3 =	vadd.s32 v1, v3;
	_ =	sdelay $0x2  }
0x22b: {  	[hbm4b:s3+s4] =	stream.indirect_vreg.scatter [tilespmem:s9], [sflag:$0x2], $0x80, v4, vm0, $0xb8;
	[tilespmem:$0x18200] =	vst v63  }
0x22c: {  	s30 =	simm.s32 $0x4880  }
0x22d: {  	[hbm4b:s3+s4] =	stream.indirect_vreg.scatter [tilespmem:s30], [sflag:$0x2], $0x80, v3, vm0, $0xb8;
	[tilespmem:$0x18200] =	vst v63  }
0x22e: {  	v3 =	vld [tilespmem:$0x10];
	_ =	sdelay $0x4  }
0x22f: {  	v33 =	vshll.u32 v3, $0x1  }
0x230: {  	v3 =	vand.u32 $0x7, v3;
	v4 =	vand.u32 $0xFFFFFFF0, v33  }
0x231: {  	v3 =	vor.u32 v3, v4  }
0x232: {  	v4 =	vperm.xlane v3, v0;
	_ =	sdelay $0x1  }
0x233: {  	v3 =	vperm.xlane v3, v2;
	v4 =	vadd.s32 v1, v4;
	_ =	sdelay $0x1  }
0x234: {  	v3 =	vadd.s32 v1, v3;
	_ =	sdelay $0x1  }
0x235: {  	s10 =	smov.u32 s1;
	s1 =	simm.s32 $0x5080  }
0x236: {  	[hbm4b:s3+s4] =	stream.indirect_vreg.scatter [tilespmem:s1], [sflag:$0x2], $0x80, v4, vm0, $0xb8;
	[tilespmem:$0x18200] =	vst v63  }
0x237: {  	s8 =	simm.s32 $0x5880  }
0x238: {  	[hbm4b:s3+s4] =	stream.indirect_vreg.scatter [tilespmem:s8], [sflag:$0x2], $0x80, v3, vm0, $0xb8;
	[tilespmem:$0x18200] =	vst v63  }
0x239: {  	v3 =	vld [tilespmem:$0x20];
	_ =	sdelay $0x4  }
0x23a: {  	v34 =	vshll.u32 v3, $0x1  }
0x23b: {  	v3 =	vand.u32 $0x7, v3;
	v4 =	vand.u32 $0xFFFFFFF0, v34  }
0x23c: {  	v3 =	vor.u32 v3, v4  }
0x23d: {  	v4 =	vperm.xlane v3, v0;
	_ =	sdelay $0x1  }
0x23e: {  	v3 =	vperm.xlane v3, v2;
	v4 =	vadd.s32 v1, v4;
	_ =	sdelay $0x1  }
0x23f: {  	v3 =	vadd.s32 v1, v3;
	_ =	sdelay $0x2  }
0x240: {  	[hbm4b:s3+s4] =	stream.indirect_vreg.scatter [tilespmem:s26], [sflag:$0x2], $0x80, v4, vm0, $0xb8;
	[tilespmem:$0x18200] =	vst v63  }
0x241: {  	s29 =	simm.s32 $0x6880  }
0x242: {  	[hbm4b:s3+s4] =	stream.indirect_vreg.scatter [tilespmem:s29], [sflag:$0x2], $0x80, v3, vm0, $0xb8;
	[tilespmem:$0x18200] =	vst v63  }
0x243: {  	v3 =	vld [tilespmem:$0x30];
	_ =	sdelay $0x4  }
0x244: {  	v35 =	vshll.u32 v3, $0x1  }
0x245: {  	v3 =	vand.u32 $0x7, v3;
	v4 =	vand.u32 $0xFFFFFFF0, v35  }
0x246: {  	v3 =	vor.u32 v3, v4  }
0x247: {  	v4 =	vperm.xlane v3, v0;
	_ =	sdelay $0x1  }
0x248: {  	v3 =	vperm.xlane v3, v2;
	v4 =	vadd.s32 v1, v4;
	_ =	sdelay $0x1  }
0x249: {  	v3 =	vadd.s32 v1, v3;
	_ =	sdelay $0x2  }
0x24a: {  	[hbm4b:s3+s4] =	stream.indirect_vreg.scatter [tilespmem:s12], [sflag:$0x2], $0x80, v4, vm0, $0xb8;
	[tilespmem:$0x18200] =	vst v63  }
0x24b: {  	s30 =	simm.s32 $0x7880  }
0x24c: {  	[hbm4b:s3+s4] =	stream.indirect_vreg.scatter [tilespmem:s30], [sflag:$0x2], $0x80, v3, vm0, $0xb8;
	[tilespmem:$0x18200] =	vst v63  }
0x24d: {  	v3 =	vld [tilespmem:$0x40];
	_ =	sdelay $0x4  }
0x24e: {  	v36 =	vshll.u32 v3, $0x1  }
0x24f: {  	v3 =	vand.u32 $0x7, v3;
	v4 =	vand.u32 $0xFFFFFFF0, v36  }
0x250: {  	v3 =	vor.u32 v3, v4  }
0x251: {  	v4 =	vperm.xlane v3, v0;
	_ =	sdelay $0x1  }
0x252: {  	v3 =	vperm.xlane v3, v2;
	v4 =	vadd.s32 v1, v4;
	_ =	sdelay $0x1  }
0x253: {  	v3 =	vadd.s32 v1, v3;
	_ =	sdelay $0x2  }
0x254: {  	[hbm4b:s3+s4] =	stream.indirect_vreg.scatter [tilespmem:s13], [sflag:$0x2], $0x80, v4, vm0, $0xb8;
	[tilespmem:$0x18200] =	vst v63  }
0x255: {  	s0 =	simm.s32 $0x8880  }
0x256: {  	[hbm4b:s3+s4] =	stream.indirect_vreg.scatter [tilespmem:s0], [sflag:$0x2], $0x80, v3, vm0, $0xb8;
	[tilespmem:$0x18200] =	vst v63  }
0x257: {  	v3 =	vld [tilespmem:$0x50];
	_ =	sdelay $0x4  }
0x258: {  	v37 =	vshll.u32 v3, $0x1  }
0x259: {  	v3 =	vand.u32 $0x7, v3;
	v4 =	vand.u32 $0xFFFFFFF0, v37  }
0x25a: {  	v3 =	vor.u32 v3, v4  }
0x25b: {  	v4 =	vperm.xlane v3, v0;
	_ =	sdelay $0x1  }
0x25c: {  	v3 =	vperm.xlane v3, v2;
	v4 =	vadd.s32 v1, v4;
	_ =	sdelay $0x1  }
0x25d: {  	v3 =	vadd.s32 v1, v3;
	_ =	sdelay $0x2  }
0x25e: {  	[hbm4b:s3+s4] =	stream.indirect_vreg.scatter [tilespmem:s15], [sflag:$0x2], $0x80, v4, vm0, $0xb8;
	[tilespmem:$0x18200] =	vst v63  }
0x25f: {  	s8 =	simm.s32 $0x9880  }
0x260: {  	[hbm4b:s3+s4] =	stream.indirect_vreg.scatter [tilespmem:s8], [sflag:$0x2], $0x80, v3, vm0, $0xb8;
	[tilespmem:$0x18200] =	vst v63  }
0x261: {  	v3 =	vld [tilespmem:$0x60];
	_ =	sdelay $0x4  }
0x262: {  	v38 =	vshll.u32 v3, $0x1  }
0x263: {  	v3 =	vand.u32 $0x7, v3;
	v4 =	vand.u32 $0xFFFFFFF0, v38  }
0x264: {  	v3 =	vor.u32 v3, v4  }
0x265: {  	v4 =	vperm.xlane v3, v0;
	_ =	sdelay $0x1  }
0x266: {  	v3 =	vperm.xlane v3, v2;
	v4 =	vadd.s32 v1, v4;
	_ =	sdelay $0x1  }
0x267: {  	v3 =	vadd.s32 v1, v3;
	_ =	sdelay $0x2  }
0x268: {  	[hbm4b:s3+s4] =	stream.indirect_vreg.scatter [tilespmem:s16], [sflag:$0x2], $0x80, v4, vm0, $0xb8;
	[tilespmem:$0x18200] =	vst v63  }
0x269: {  	_ = 	snop  }
0x26a: {  	[hbm4b:s3+s4] =	stream.indirect_vreg.scatter [tilespmem:s19], [sflag:$0x2], $0x80, v3, vm0, $0xb8;
	[tilespmem:$0x18200] =	vst v63  }
0x26b: {  	v3 =	vld [tilespmem:$0x70];
	_ =	sdelay $0x4  }
0x26c: {  	v39 =	vshll.u32 v3, $0x1  }
0x26d: {  	v3 =	vand.u32 $0x7, v3;
	v4 =	vand.u32 $0xFFFFFFF0, v39  }
0x26e: {  	v3 =	vor.u32 v3, v4  }
0x26f: {  	v4 =	vperm.xlane v3, v0;
	_ =	sdelay $0x1  }
0x270: {  	v3 =	vperm.xlane v3, v2;
	v4 =	vadd.s32 v1, v4;
	_ =	sdelay $0x1  }
0x271: {  	v3 =	vadd.s32 v1, v3;
	_ =	sdelay $0x1  }
0x272: {  	s12 =	simm.s32 $0xB080  }
0x273: {  	[hbm4b:s3+s4] =	stream.indirect_vreg.scatter [tilespmem:s12], [sflag:$0x2], $0x80, v4, vm0, $0xb8;
	[tilespmem:$0x18200] =	vst v63  }
0x274: {  	s13 =	simm.s32 $0xB880  }
0x275: {  	[hbm4b:s3+s4] =	stream.indirect_vreg.scatter [tilespmem:s13], [sflag:$0x2], $0x80, v3, vm0, $0xb8;
	[tilespmem:$0x18200] =	vst v63  }
0x276: {  	s15 =	simm.s32 $0xC080  }
0x277: {  	[hbm4b:s5+s7] =	stream.indirect.scatter [tilespmem:s15], [sflag:$0x2], $0x1, s4, s7, $0xb8;
	[tilespmem:$0x18200] =	vst v63  }
0x278: {  	_ =	swait.ge [sflag:s31], $0x4000  }
0x279: {  	[sflag:s31] =	ssyncset.done $0x0  }
0x27a: {  	[sflag:s31] =	ssyncadd.s32 $0xFFFFC000  }
0x27b: {  	_ =	swait.ge [sflag:s31], $0x8000  }
0x27c: {  	[sflag:s31] =	ssyncset.done $0x0  }
0x27d: {  	[sflag:s31] =	ssyncadd.s32 $0xFFFF8000  }
0x27e: {  	_ =	swait.ge [sflag:s31], $0x80  }
0x27f: {  	s16 =	rddreg [dreg:$0x1f];
	[sflag:s31] =	ssyncset.done $0x0  }
0x280: {  	s19 =	sld [smem:$0x7F7];
	[sflag:s31] =	ssyncadd.s32 $0xFFFFFF80  }
0x281: {  	[tilespmem:s4], [sflag:$0x1] =	stream.linear.gather [hbm4b:s16+s4], $0x80, $0x38;
	[tilespmem:$0x18200] =	vst v63  }
0x282: {  	s26 =	sld [smem:$0x7F8]  }
0x283: {  	[tilespmem:s7], [sflag:$0x1] =	stream.linear.gather [hbm4b:s19+s4], $0x4000, $0x38;
	[tilespmem:$0x18200] =	vst v63  }
0x284: {  	s1 =	sld [smem:$0x7F9]  }
0x285: {  	[tilespmem:s9], [sflag:$0x1] =	stream.linear.gather [hbm4b:s26+s4], $0x8000, $0x38;
	[tilespmem:$0x18200] =	vst v63  }
0x286: {  	_ = 	snop  }
0x287: {  	[tilespmem:s15], [sflag:$0x1] =	stream.linear.gather [hbm4b:s1+s4], $0x80, $0x38;
	[tilespmem:$0x18200] =	vst v63  }
0x288: {  	_ =	swait.ge [sflag:s14], $0x80  }
0x289: {  	[sflag:s14] =	ssyncset.done $0x0  }
0x28a: {  	[sflag:s14] =	ssyncadd.s32 $0xFFFFFF80  }
0x28b: {  	_ =	swait.ge [sflag:s14], $0x4000  }
0x28c: {  	[sflag:s14] =	ssyncset.done $0x0  }
0x28d: {  	[sflag:s14] =	ssyncadd.s32 $0xFFFFC000  }
0x28e: {  	_ =	swait.ge [sflag:s14], $0x8000  }
0x28f: {  	[sflag:s14] =	ssyncset.done $0x0  }
0x290: {  	[sflag:s14] =	ssyncadd.s32 $0xFFFF8000  }
0x291: {  	_ =	swait.ge [sflag:s14], $0x80  }
0x292: {  	[sflag:s14] =	ssyncset.done $0x0  }
0x293: {  	s17 =	simm.s32 $0xC180;
	[sflag:s14] =	ssyncadd.s32 $0xFFFFFF80  }
0x294: {  	[hbm4b:s10+s7] =	stream.indirect.scatter [tilespmem:s17], [sflag:$0x2], $0x80, s18, s7, $0xb8;
	[tilespmem:$0x18200] =	vst v63  }
0x295: {  	v3 =	vld [tilespmem:$0xC100];
	_ =	sdelay $0x4  }
0x296: {  	v40 =	vshll.u32 v3, $0x1  }
0x297: {  	v3 =	vand.u32 $0x7, v3;
	v4 =	vand.u32 $0xFFFFFFF0, v40  }
0x298: {  	v3 =	vor.u32 v3, v4  }
0x299: {  	v4 =	vperm.xlane v3, v0;
	_ =	sdelay $0x1  }
0x29a: {  	v3 =	vperm.xlane v3, v2;
	v4 =	vadd.s32 v1, v4;
	_ =	sdelay $0x1  }
0x29b: {  	v3 =	vadd.s32 v1, v3;
	_ =	sdelay $0x1  }
0x29c: {  	s2 =	simm.s32 $0x10180  }
0x29d: {  	[hbm4b:s3+s4] =	stream.indirect_vreg.scatter [tilespmem:s2], [sflag:$0x2], $0x80, v4, vm0, $0xb8;
	[tilespmem:$0x18200] =	vst v63  }
0x29e: {  	s2 =	simm.s32 $0x10980  }
0x29f: {  	[hbm4b:s3+s4] =	stream.indirect_vreg.scatter [tilespmem:s2], [sflag:$0x2], $0x80, v3, vm0, $0xb8;
	[tilespmem:$0x18200] =	vst v63  }
0x2a0: {  	v3 =	vld [tilespmem:$0xC110];
	_ =	sdelay $0x4  }
0x2a1: {  	v41 =	vshll.u32 v3, $0x1  }
0x2a2: {  	v3 =	vand.u32 $0x7, v3;
	v4 =	vand.u32 $0xFFFFFFF0, v41  }
0x2a3: {  	v3 =	vor.u32 v3, v4  }
0x2a4: {  	v4 =	vperm.xlane v3, v0;
	_ =	sdelay $0x1  }
0x2a5: {  	v3 =	vperm.xlane v3, v2;
	v4 =	vadd.s32 v1, v4;
	_ =	sdelay $0x1  }
0x2a6: {  	v3 =	vadd.s32 v1, v3;
	_ =	sdelay $0x2  }
0x2a7: {  	[hbm4b:s3+s4] =	stream.indirect_vreg.scatter [tilespmem:s20], [sflag:$0x2], $0x80, v4, vm0, $0xb8;
	[tilespmem:$0x18200] =	vst v63  }
0x2a8: {  	s26 =	simm.s32 $0x11980  }
0x2a9: {  	[hbm4b:s3+s4] =	stream.indirect_vreg.scatter [tilespmem:s26], [sflag:$0x2], $0x80, v3, vm0, $0xb8;
	[tilespmem:$0x18200] =	vst v63  }
0x2aa: {  	v3 =	vld [tilespmem:$0xC120];
	_ =	sdelay $0x4  }
0x2ab: {  	v42 =	vshll.u32 v3, $0x1  }
0x2ac: {  	v3 =	vand.u32 $0x7, v3;
	v4 =	vand.u32 $0xFFFFFFF0, v42  }
0x2ad: {  	v3 =	vor.u32 v3, v4  }
0x2ae: {  	v4 =	vperm.xlane v3, v0;
	_ =	sdelay $0x1  }
0x2af: {  	v3 =	vperm.xlane v3, v2;
	v4 =	vadd.s32 v1, v4;
	_ =	sdelay $0x1  }
0x2b0: {  	v3 =	vadd.s32 v1, v3;
	_ =	sdelay $0x2  }
0x2b1: {  	[hbm4b:s3+s4] =	stream.indirect_vreg.scatter [tilespmem:s21], [sflag:$0x2], $0x80, v4, vm0, $0xb8;
	[tilespmem:$0x18200] =	vst v63  }
0x2b2: {  	s12 =	simm.s32 $0x12980  }
0x2b3: {  	[hbm4b:s3+s4] =	stream.indirect_vreg.scatter [tilespmem:s12], [sflag:$0x2], $0x80, v3, vm0, $0xb8;
	[tilespmem:$0x18200] =	vst v63  }
0x2b4: {  	v3 =	vld [tilespmem:$0xC130];
	_ =	sdelay $0x4  }
0x2b5: {  	v43 =	vshll.u32 v3, $0x1  }
0x2b6: {  	v3 =	vand.u32 $0x7, v3;
	v4 =	vand.u32 $0xFFFFFFF0, v43  }
0x2b7: {  	v3 =	vor.u32 v3, v4  }
0x2b8: {  	v4 =	vperm.xlane v3, v0;
	_ =	sdelay $0x1  }
0x2b9: {  	v3 =	vperm.xlane v3, v2;
	v4 =	vadd.s32 v1, v4;
	_ =	sdelay $0x1  }
0x2ba: {  	v3 =	vadd.s32 v1, v3;
	_ =	sdelay $0x2  }
0x2bb: {  	[hbm4b:s3+s4] =	stream.indirect_vreg.scatter [tilespmem:s22], [sflag:$0x2], $0x80, v4, vm0, $0xb8;
	[tilespmem:$0x18200] =	vst v63  }
0x2bc: {  	s13 =	simm.s32 $0x13980  }
0x2bd: {  	[hbm4b:s3+s4] =	stream.indirect_vreg.scatter [tilespmem:s13], [sflag:$0x2], $0x80, v3, vm0, $0xb8;
	[tilespmem:$0x18200] =	vst v63  }
0x2be: {  	v3 =	vld [tilespmem:$0xC140];
	_ =	sdelay $0x4  }
0x2bf: {  	v44 =	vshll.u32 v3, $0x1  }
0x2c0: {  	v3 =	vand.u32 $0x7, v3;
	v4 =	vand.u32 $0xFFFFFFF0, v44  }
0x2c1: {  	v3 =	vor.u32 v3, v4  }
0x2c2: {  	v4 =	vperm.xlane v3, v0;
	_ =	sdelay $0x1  }
0x2c3: {  	v3 =	vperm.xlane v3, v2;
	v4 =	vadd.s32 v1, v4;
	_ =	sdelay $0x1  }
0x2c4: {  	v3 =	vadd.s32 v1, v3;
	_ =	sdelay $0x2  }
0x2c5: {  	[hbm4b:s3+s4] =	stream.indirect_vreg.scatter [tilespmem:s23], [sflag:$0x2], $0x80, v4, vm0, $0xb8;
	[tilespmem:$0x18200] =	vst v63  }
0x2c6: {  	s15 =	simm.s32 $0x14980  }
0x2c7: {  	[hbm4b:s3+s4] =	stream.indirect_vreg.scatter [tilespmem:s15], [sflag:$0x2], $0x80, v3, vm0, $0xb8;
	[tilespmem:$0x18200] =	vst v63  }
0x2c8: {  	v3 =	vld [tilespmem:$0xC150];
	_ =	sdelay $0x4  }
0x2c9: {  	v45 =	vshll.u32 v3, $0x1  }
0x2ca: {  	v3 =	vand.u32 $0x7, v3;
	v4 =	vand.u32 $0xFFFFFFF0, v45  }
0x2cb: {  	v3 =	vor.u32 v3, v4  }
0x2cc: {  	v4 =	vperm.xlane v3, v0;
	_ =	sdelay $0x1  }
0x2cd: {  	v3 =	vperm.xlane v3, v2;
	v4 =	vadd.s32 v1, v4;
	_ =	sdelay $0x1  }
0x2ce: {  	v3 =	vadd.s32 v1, v3;
	_ =	sdelay $0x2  }
0x2cf: {  	[hbm4b:s3+s4] =	stream.indirect_vreg.scatter [tilespmem:s24], [sflag:$0x2], $0x80, v4, vm0, $0xb8;
	[tilespmem:$0x18200] =	vst v63  }
0x2d0: {  	_ = 	snop  }
0x2d1: {  	[hbm4b:s3+s4] =	stream.indirect_vreg.scatter [tilespmem:s28], [sflag:$0x2], $0x80, v3, vm0, $0xb8;
	[tilespmem:$0x18200] =	vst v63  }
0x2d2: {  	v3 =	vld [tilespmem:$0xC160];
	_ =	sdelay $0x4  }
0x2d3: {  	v46 =	vshll.u32 v3, $0x1  }
0x2d4: {  	v3 =	vand.u32 $0x7, v3;
	v4 =	vand.u32 $0xFFFFFFF0, v46  }
0x2d5: {  	v3 =	vor.u32 v3, v4  }
0x2d6: {  	v4 =	vperm.xlane v3, v0;
	_ =	sdelay $0x1  }
0x2d7: {  	v3 =	vperm.xlane v3, v2;
	v4 =	vadd.s32 v1, v4;
	_ =	sdelay $0x1  }
0x2d8: {  	v3 =	vadd.s32 v1, v3;
	_ =	sdelay $0x2  }
0x2d9: {  	[hbm4b:s3+s4] =	stream.indirect_vreg.scatter [tilespmem:s25], [sflag:$0x2], $0x80, v4, vm0, $0xb8;
	[tilespmem:$0x18200] =	vst v63  }
0x2da: {  	s8 =	simm.s32 $0x16980  }
0x2db: {  	[hbm4b:s3+s4] =	stream.indirect_vreg.scatter [tilespmem:s8], [sflag:$0x2], $0x80, v3, vm0, $0xb8;
	[tilespmem:$0x18200] =	vst v63  }
0x2dc: {  	v3 =	vld [tilespmem:$0xC170];
	_ =	sdelay $0x4  }
0x2dd: {  	v47 =	vshll.u32 v3, $0x1  }
0x2de: {  	v3 =	vand.u32 $0x7, v3;
	v4 =	vand.u32 $0xFFFFFFF0, v47  }
0x2df: {  	v3 =	vor.u32 v3, v4  }
0x2e0: {  	v4 =	vperm.xlane v3, v0;
	_ =	sdelay $0x1  }
0x2e1: {  	v3 =	vperm.xlane v3, v2;
	v4 =	vadd.s32 v1, v4;
	_ =	sdelay $0x1  }
0x2e2: {  	v3 =	vadd.s32 v1, v3;
	_ =	sdelay $0x1  }
0x2e3: {  	s0 =	simm.s32 $0x17180  }
0x2e4: {  	[hbm4b:s3+s4] =	stream.indirect_vreg.scatter [tilespmem:s0], [sflag:$0x2], $0x80, v4, vm0, $0xb8;
	[tilespmem:$0x18200] =	vst v63  }
0x2e5: {  	_ = 	snop  }
0x2e6: {  	[hbm4b:s3+s4] =	stream.indirect_vreg.scatter [tilespmem:s11], [sflag:$0x2], $0x80, v3, vm0, $0xb8;
	[tilespmem:$0x18200] =	vst v63  }
0x2e7: {  	s1 =	simm.s32 $0x18180  }
0x2e8: {  	[hbm4b:s5+s7] =	stream.indirect.scatter [tilespmem:s1], [sflag:$0x2], $0x1, s18, s7, $0xb8;
	[tilespmem:$0x18200] =	vst v63  }
0x2e9: {  	_ =	swait.ge [sflag:s31], $0x4000  }
0x2ea: {  	[sflag:s31] =	ssyncset.done $0x0  }
0x2eb: {  	[sflag:s31] =	ssyncadd.s32 $0xFFFFC000  }
0x2ec: {  	_ =	swait.ge [sflag:s31], $0x8000  }
0x2ed: {  	[sflag:s31] =	ssyncset.done $0x0  }
0x2ee: {  	[sflag:s31] =	ssyncadd.s32 $0xFFFF8000  }
0x2ef: {  	_ =	swait.ge [sflag:s31], $0x80  }
0x2f0: {  	s11 =	sld [smem:$0x7FA]  }
0x2f1: {  	[sflag:s31] =	ssyncset.done $0x0  }
0x2f2: {  	s17 =	sld [smem:$0x7FB];
	[sflag:s31] =	ssyncadd.s32 $0xFFFFFF80  }
0x2f3: {  	[tilespmem:s18], [sflag:$0x1] =	stream.linear.gather [hbm4b:s11+s4], $0x80, $0x38;
	[tilespmem:$0x18200] =	vst v63  }
0x2f4: {  	s29 =	sld [smem:$0x7FC];
	s11 =	simm.s32 $0xC180  }
0x2f5: {  	[tilespmem:s11], [sflag:$0x1] =	stream.linear.gather [hbm4b:s17+s4], $0x4000, $0x38;
	[tilespmem:$0x18200] =	vst v63  }
0x2f6: {  	s16 =	simm.s32 $0x10180;
	s17 =	sld [smem:$0x7FD]  }
0x2f7: {  	[tilespmem:s16], [sflag:$0x1] =	stream.linear.gather [hbm4b:s29+s4], $0x8000, $0x38;
	[tilespmem:$0x18200] =	vst v63  }
0x2f8: {  	_ = 	snop  }
0x2f9: {  	[tilespmem:s1], [sflag:$0x1] =	stream.linear.gather [hbm4b:s17+s4], $0x80, $0x38;
	[tilespmem:$0x18200] =	vst v63  }
0x2fa: {  	_ =	swait.ge [sflag:s14], $0x80  }
0x2fb: {  	[sflag:s14] =	ssyncset.done $0x0  }
0x2fc: {  	[sflag:s14] =	ssyncadd.s32 $0xFFFFFF80  }
0x2fd: {  	_ =	swait.ge [sflag:s14], $0x4000  }
0x2fe: {  	[sflag:s14] =	ssyncset.done $0x0  }
0x2ff: {  	[sflag:s14] =	ssyncadd.s32 $0xFFFFC000  }
0x300: {  	_ =	swait.ge [sflag:s14], $0x8000  }
0x301: {  	[sflag:s14] =	ssyncset.done $0x0  }
0x302: {  	[sflag:s14] =	ssyncadd.s32 $0xFFFF8000  }
0x303: {  	_ =	swait.ge [sflag:s14], $0x80  }
0x304: {  	[sflag:s14] =	ssyncset.done $0x0  }
0x305: {  	[sflag:s14] =	ssyncadd.s32 $0xFFFFFF80  }
0x306: {  	[hbm4b:s10+s7] =	stream.indirect.scatter [tilespmem:s7], [sflag:$0x2], $0x80, s4, s7, $0xb8;
	[tilespmem:$0x18200] =	vst v63  }
0x307: {  	v3 =	vld [tilespmem:$0x0];
	_ =	sdelay $0x4  }
0x308: {  	v48 =	vshll.u32 v3, $0x1  }
0x309: {  	v3 =	vand.u32 $0x7, v3;
	v4 =	vand.u32 $0xFFFFFFF0, v48  }
0x30a: {  	v3 =	vor.u32 v3, v4  }
0x30b: {  	v4 =	vperm.xlane v3, v0;
	_ =	sdelay $0x1  }
0x30c: {  	v3 =	vperm.xlane v3, v2;
	v4 =	vadd.s32 v1, v4;
	_ =	sdelay $0x1  }
0x30d: {  	v3 =	vadd.s32 v1, v3;
	_ =	sdelay $0x2  }
0x30e: {  	[hbm4b:s3+s4] =	stream.indirect_vreg.scatter [tilespmem:s9], [sflag:$0x2], $0x80, v4, vm0, $0xb8;
	[tilespmem:$0x18200] =	vst v63  }
0x30f: {  	s30 =	simm.s32 $0x4880  }
0x310: {  	[hbm4b:s3+s4] =	stream.indirect_vreg.scatter [tilespmem:s30], [sflag:$0x2], $0x80, v3, vm0, $0xb8;
	[tilespmem:$0x18200] =	vst v63  }
0x311: {  	v3 =	vld [tilespmem:$0x10];
	_ =	sdelay $0x4  }
0x312: {  	v49 =	vshll.u32 v3, $0x1  }
0x313: {  	v3 =	vand.u32 $0x7, v3;
	v4 =	vand.u32 $0xFFFFFFF0, v49  }
0x314: {  	v3 =	vor.u32 v3, v4  }
0x315: {  	v4 =	vperm.xlane v3, v0;
	_ =	sdelay $0x1  }
0x316: {  	v3 =	vperm.xlane v3, v2;
	v4 =	vadd.s32 v1, v4;
	_ =	sdelay $0x1  }
0x317: {  	v3 =	vadd.s32 v1, v3;
	_ =	sdelay $0x1  }
0x318: {  	s17 =	simm.s32 $0x5080  }
0x319: {  	[hbm4b:s3+s4] =	stream.indirect_vreg.scatter [tilespmem:s17], [sflag:$0x2], $0x80, v4, vm0, $0xb8;
	[tilespmem:$0x18200] =	vst v63  }
0x31a: {  	s29 =	simm.s32 $0x5880  }
0x31b: {  	[hbm4b:s3+s4] =	stream.indirect_vreg.scatter [tilespmem:s29], [sflag:$0x2], $0x80, v3, vm0, $0xb8;
	[tilespmem:$0x18200] =	vst v63  }
0x31c: {  	v3 =	vld [tilespmem:$0x20];
	_ =	sdelay $0x4  }
0x31d: {  	v50 =	vshll.u32 v3, $0x1  }
0x31e: {  	v3 =	vand.u32 $0x7, v3;
	v4 =	vand.u32 $0xFFFFFFF0, v50  }
0x31f: {  	v3 =	vor.u32 v3, v4  }
0x320: {  	v4 =	vperm.xlane v3, v0;
	_ =	sdelay $0x1  }
0x321: {  	v3 =	vperm.xlane v3, v2;
	v4 =	vadd.s32 v1, v4;
	_ =	sdelay $0x1  }
0x322: {  	v3 =	vadd.s32 v1, v3;
	_ =	sdelay $0x1  }
0x323: {  	s30 =	simm.s32 $0x6080  }
0x324: {  	[hbm4b:s3+s4] =	stream.indirect_vreg.scatter [tilespmem:s30], [sflag:$0x2], $0x80, v4, vm0, $0xb8;
	[tilespmem:$0x18200] =	vst v63  }
0x325: {  	s17 =	simm.s32 $0x6880  }
0x326: {  	[hbm4b:s3+s4] =	stream.indirect_vreg.scatter [tilespmem:s17], [sflag:$0x2], $0x80, v3, vm0, $0xb8;
	[tilespmem:$0x18200] =	vst v63  }
0x327: {  	v3 =	vld [tilespmem:$0x30];
	_ =	sdelay $0x4  }
0x328: {  	v51 =	vshll.u32 v3, $0x1  }
0x329: {  	v3 =	vand.u32 $0x7, v3;
	v4 =	vand.u32 $0xFFFFFFF0, v51  }
0x32a: {  	v3 =	vor.u32 v3, v4  }
0x32b: {  	v4 =	vperm.xlane v3, v0;
	_ =	sdelay $0x1  }
0x32c: {  	v3 =	vperm.xlane v3, v2;
	v4 =	vadd.s32 v1, v4;
	_ =	sdelay $0x1  }
0x32d: {  	v3 =	vadd.s32 v1, v3;
	_ =	sdelay $0x1  }
0x32e: {  	s29 =	simm.s32 $0x7080  }
0x32f: {  	[hbm4b:s3+s4] =	stream.indirect_vreg.scatter [tilespmem:s29], [sflag:$0x2], $0x80, v4, vm0, $0xb8;
	[tilespmem:$0x18200] =	vst v63  }
0x330: {  	s30 =	simm.s32 $0x7880  }
0x331: {  	[hbm4b:s3+s4] =	stream.indirect_vreg.scatter [tilespmem:s30], [sflag:$0x2], $0x80, v3, vm0, $0xb8;
	[tilespmem:$0x18200] =	vst v63  }
0x332: {  	v3 =	vld [tilespmem:$0x40];
	_ =	sdelay $0x4  }
0x333: {  	v52 =	vshll.u32 v3, $0x1  }
0x334: {  	v3 =	vand.u32 $0x7, v3;
	v4 =	vand.u32 $0xFFFFFFF0, v52  }
0x335: {  	v3 =	vor.u32 v3, v4  }
0x336: {  	v4 =	vperm.xlane v3, v0;
	_ =	sdelay $0x1  }
0x337: {  	v3 =	vperm.xlane v3, v2;
	v4 =	vadd.s32 v1, v4;
	_ =	sdelay $0x1  }
0x338: {  	v3 =	vadd.s32 v1, v3;
	_ =	sdelay $0x1  }
0x339: {  	s17 =	simm.s32 $0x8080  }
0x33a: {  	[hbm4b:s3+s4] =	stream.indirect_vreg.scatter [tilespmem:s17], [sflag:$0x2], $0x80, v4, vm0, $0xb8;
	[tilespmem:$0x18200] =	vst v63  }
0x33b: {  	s29 =	simm.s32 $0x8880  }
0x33c: {  	[hbm4b:s3+s4] =	stream.indirect_vreg.scatter [tilespmem:s29], [sflag:$0x2], $0x80, v3, vm0, $0xb8;
	[tilespmem:$0x18200] =	vst v63  }
0x33d: {  	v3 =	vld [tilespmem:$0x50];
	_ =	sdelay $0x4  }
0x33e: {  	v53 =	vshll.u32 v3, $0x1  }
0x33f: {  	v3 =	vand.u32 $0x7, v3;
	v4 =	vand.u32 $0xFFFFFFF0, v53  }
0x340: {  	v3 =	vor.u32 v3, v4  }
0x341: {  	v4 =	vperm.xlane v3, v0;
	_ =	sdelay $0x1  }
0x342: {  	v3 =	vperm.xlane v3, v2;
	v4 =	vadd.s32 v1, v4;
	_ =	sdelay $0x1  }
0x343: {  	v3 =	vadd.s32 v1, v3;
	_ =	sdelay $0x1  }
0x344: {  	s30 =	simm.s32 $0x9080  }
0x345: {  	[hbm4b:s3+s4] =	stream.indirect_vreg.scatter [tilespmem:s30], [sflag:$0x2], $0x80, v4, vm0, $0xb8;
	[tilespmem:$0x18200] =	vst v63  }
0x346: {  	s17 =	simm.s32 $0x9880  }
0x347: {  	[hbm4b:s3+s4] =	stream.indirect_vreg.scatter [tilespmem:s17], [sflag:$0x2], $0x80, v3, vm0, $0xb8;
	[tilespmem:$0x18200] =	vst v63  }
0x348: {  	v3 =	vld [tilespmem:$0x60];
	_ =	sdelay $0x4  }
0x349: {  	v54 =	vshll.u32 v3, $0x1  }
0x34a: {  	v3 =	vand.u32 $0x7, v3;
	v4 =	vand.u32 $0xFFFFFFF0, v54  }
0x34b: {  	v3 =	vor.u32 v3, v4  }
0x34c: {  	v4 =	vperm.xlane v3, v0;
	_ =	sdelay $0x1  }
0x34d: {  	v3 =	vperm.xlane v3, v2;
	v4 =	vadd.s32 v1, v4;
	_ =	sdelay $0x1  }
0x34e: {  	v3 =	vadd.s32 v1, v3;
	_ =	sdelay $0x1  }
0x34f: {  	s29 =	simm.s32 $0xA080  }
0x350: {  	[hbm4b:s3+s4] =	stream.indirect_vreg.scatter [tilespmem:s29], [sflag:$0x2], $0x80, v4, vm0, $0xb8;
	[tilespmem:$0x18200] =	vst v63  }
0x351: {  	s30 =	simm.s32 $0xA880  }
0x352: {  	[hbm4b:s3+s4] =	stream.indirect_vreg.scatter [tilespmem:s30], [sflag:$0x2], $0x80, v3, vm0, $0xb8;
	[tilespmem:$0x18200] =	vst v63  }
0x353: {  	v3 =	vld [tilespmem:$0x70];
	_ =	sdelay $0x4  }
0x354: {  	v55 =	vshll.u32 v3, $0x1  }
0x355: {  	v3 =	vand.u32 $0x7, v3;
	v4 =	vand.u32 $0xFFFFFFF0, v55  }
0x356: {  	v3 =	vor.u32 v3, v4  }
0x357: {  	v4 =	vperm.xlane v3, v0;
	_ =	sdelay $0x1  }
0x358: {  	v3 =	vperm.xlane v3, v2;
	v4 =	vadd.s32 v1, v4;
	_ =	sdelay $0x1  }
0x359: {  	v3 =	vadd.s32 v1, v3;
	_ =	sdelay $0x1  }
0x35a: {  	s17 =	simm.s32 $0xB080  }
0x35b: {  	[hbm4b:s3+s4] =	stream.indirect_vreg.scatter [tilespmem:s17], [sflag:$0x2], $0x80, v4, vm0, $0xb8;
	[tilespmem:$0x18200] =	vst v63  }
0x35c: {  	s29 =	simm.s32 $0xB880  }
0x35d: {  	[hbm4b:s3+s4] =	stream.indirect_vreg.scatter [tilespmem:s29], [sflag:$0x2], $0x80, v3, vm0, $0xb8;
	[tilespmem:$0x18200] =	vst v63  }
0x35e: {  	s30 =	simm.s32 $0xC080  }
0x35f: {  	[hbm4b:s5+s7] =	stream.indirect.scatter [tilespmem:s30], [sflag:$0x2], $0x1, s4, s7, $0xb8;
	[tilespmem:$0x18200] =	vst v63  }
0x360: {  	_ =	swait.ge [sflag:s14], $0x80  }
0x361: {  	[sflag:s14] =	ssyncset.done $0x0  }
0x362: {  	[sflag:s14] =	ssyncadd.s32 $0xFFFFFF80  }
0x363: {  	_ =	swait.ge [sflag:s14], $0x4000  }
0x364: {  	[sflag:s14] =	ssyncset.done $0x0  }
0x365: {  	[sflag:s14] =	ssyncadd.s32 $0xFFFFC000  }
0x366: {  	_ =	swait.ge [sflag:s14], $0x8000  }
0x367: {  	[sflag:s14] =	ssyncset.done $0x0  }
0x368: {  	[sflag:s14] =	ssyncadd.s32 $0xFFFF8000  }
0x369: {  	_ =	swait.ge [sflag:s14], $0x80  }
0x36a: {  	[sflag:s14] =	ssyncset.done $0x0  }
0x36b: {  	[sflag:s14] =	ssyncadd.s32 $0xFFFFFF80  }
0x36c: {  	[hbm4b:s10+s7] =	stream.indirect.scatter [tilespmem:s11], [sflag:$0x2], $0x80, s18, s7, $0xb8;
	[tilespmem:$0x18200] =	vst v63  }
0x36d: {  	v3 =	vld [tilespmem:$0xC100];
	_ =	sdelay $0x4  }
0x36e: {  	v56 =	vshll.u32 v3, $0x1  }
0x36f: {  	v3 =	vand.u32 $0x7, v3;
	v4 =	vand.u32 $0xFFFFFFF0, v56  }
0x370: {  	v3 =	vor.u32 v3, v4  }
0x371: {  	v4 =	vperm.xlane v3, v0;
	_ =	sdelay $0x1  }
0x372: {  	v3 =	vperm.xlane v3, v2;
	v4 =	vadd.s32 v1, v4;
	_ =	sdelay $0x1  }
0x373: {  	v3 =	vadd.s32 v1, v3;
	_ =	sdelay $0x2  }
0x374: {  	[hbm4b:s3+s4] =	stream.indirect_vreg.scatter [tilespmem:s16], [sflag:$0x2], $0x80, v4, vm0, $0xb8;
	[tilespmem:$0x18200] =	vst v63  }
0x375: {  	_ = 	snop  }
0x376: {  	[hbm4b:s3+s4] =	stream.indirect_vreg.scatter [tilespmem:s2], [sflag:$0x2], $0x80, v3, vm0, $0xb8;
	[tilespmem:$0x18200] =	vst v63  }
0x377: {  	v3 =	vld [tilespmem:$0xC110];
	_ =	sdelay $0x4  }
0x378: {  	v57 =	vshll.u32 v3, $0x1  }
0x379: {  	v3 =	vand.u32 $0x7, v3;
	v4 =	vand.u32 $0xFFFFFFF0, v57  }
0x37a: {  	v3 =	vor.u32 v3, v4  }
0x37b: {  	v4 =	vperm.xlane v3, v0;
	_ =	sdelay $0x1  }
0x37c: {  	v3 =	vperm.xlane v3, v2;
	v4 =	vadd.s32 v1, v4;
	_ =	sdelay $0x1  }
0x37d: {  	v3 =	vadd.s32 v1, v3;
	_ =	sdelay $0x1  }
0x37e: {  	s20 =	simm.s32 $0x11180  }
0x37f: {  	[hbm4b:s3+s4] =	stream.indirect_vreg.scatter [tilespmem:s20], [sflag:$0x2], $0x80, v4, vm0, $0xb8;
	[tilespmem:$0x18200] =	vst v63  }
0x380: {  	_ = 	snop  }
0x381: {  	[hbm4b:s3+s4] =	stream.indirect_vreg.scatter [tilespmem:s26], [sflag:$0x2], $0x80, v3, vm0, $0xb8;
	[tilespmem:$0x18200] =	vst v63  }
0x382: {  	v3 =	vld [tilespmem:$0xC120];
	_ =	sdelay $0x4  }
0x383: {  	v58 =	vshll.u32 v3, $0x1  }
0x384: {  	v3 =	vand.u32 $0x7, v3;
	v4 =	vand.u32 $0xFFFFFFF0, v58  }
0x385: {  	v3 =	vor.u32 v3, v4  }
0x386: {  	v4 =	vperm.xlane v3, v0;
	_ =	sdelay $0x1  }
0x387: {  	v3 =	vperm.xlane v3, v2;
	v4 =	vadd.s32 v1, v4;
	_ =	sdelay $0x1  }
0x388: {  	v3 =	vadd.s32 v1, v3;
	_ =	sdelay $0x1  }
0x389: {  	s21 =	simm.s32 $0x12180  }
0x38a: {  	[hbm4b:s3+s4] =	stream.indirect_vreg.scatter [tilespmem:s21], [sflag:$0x2], $0x80, v4, vm0, $0xb8;
	[tilespmem:$0x18200] =	vst v63  }
0x38b: {  	_ = 	snop  }
0x38c: {  	[hbm4b:s3+s4] =	stream.indirect_vreg.scatter [tilespmem:s12], [sflag:$0x2], $0x80, v3, vm0, $0xb8;
	[tilespmem:$0x18200] =	vst v63  }
0x38d: {  	v3 =	vld [tilespmem:$0xC130];
	_ =	sdelay $0x4  }
0x38e: {  	v59 =	vshll.u32 v3, $0x1  }
0x38f: {  	v3 =	vand.u32 $0x7, v3;
	v4 =	vand.u32 $0xFFFFFFF0, v59  }
0x390: {  	v3 =	vor.u32 v3, v4  }
0x391: {  	v4 =	vperm.xlane v3, v0;
	_ =	sdelay $0x1  }
0x392: {  	v3 =	vperm.xlane v3, v2;
	v4 =	vadd.s32 v1, v4;
	_ =	sdelay $0x1  }
0x393: {  	v3 =	vadd.s32 v1, v3;
	_ =	sdelay $0x1  }
0x394: {  	s22 =	simm.s32 $0x13180  }
0x395: {  	[hbm4b:s3+s4] =	stream.indirect_vreg.scatter [tilespmem:s22], [sflag:$0x2], $0x80, v4, vm0, $0xb8;
	[tilespmem:$0x18200] =	vst v63  }
0x396: {  	_ = 	snop  }
0x397: {  	[hbm4b:s3+s4] =	stream.indirect_vreg.scatter [tilespmem:s13], [sflag:$0x2], $0x80, v3, vm0, $0xb8;
	[tilespmem:$0x18200] =	vst v63  }
0x398: {  	v3 =	vld [tilespmem:$0xC140];
	_ =	sdelay $0x4  }
0x399: {  	v60 =	vshll.u32 v3, $0x1  }
0x39a: {  	v3 =	vand.u32 $0x7, v3;
	v4 =	vand.u32 $0xFFFFFFF0, v60  }
0x39b: {  	v3 =	vor.u32 v3, v4  }
0x39c: {  	v4 =	vperm.xlane v3, v0;
	_ =	sdelay $0x1  }
0x39d: {  	v3 =	vperm.xlane v3, v2;
	v4 =	vadd.s32 v1, v4;
	_ =	sdelay $0x1  }
0x39e: {  	v3 =	vadd.s32 v1, v3;
	_ =	sdelay $0x1  }
0x39f: {  	s23 =	simm.s32 $0x14180  }
0x3a0: {  	[hbm4b:s3+s4] =	stream.indirect_vreg.scatter [tilespmem:s23], [sflag:$0x2], $0x80, v4, vm0, $0xb8;
	[tilespmem:$0x18200] =	vst v63  }
0x3a1: {  	_ = 	snop  }
0x3a2: {  	[hbm4b:s3+s4] =	stream.indirect_vreg.scatter [tilespmem:s15], [sflag:$0x2], $0x80, v3, vm0, $0xb8;
	[tilespmem:$0x18200] =	vst v63  }
0x3a3: {  	v3 =	vld [tilespmem:$0xC150];
	_ =	sdelay $0x4  }
0x3a4: {  	v61 =	vshll.u32 v3, $0x1  }
0x3a5: {  	v3 =	vand.u32 $0x7, v3;
	v4 =	vand.u32 $0xFFFFFFF0, v61  }
0x3a6: {  	v3 =	vor.u32 v3, v4  }
0x3a7: {  	v4 =	vperm.xlane v3, v0;
	_ =	sdelay $0x1  }
0x3a8: {  	v3 =	vperm.xlane v3, v2;
	v4 =	vadd.s32 v1, v4;
	_ =	sdelay $0x1  }
0x3a9: {  	v3 =	vadd.s32 v1, v3;
	_ =	sdelay $0x1  }
0x3aa: {  	s24 =	simm.s32 $0x15180  }
0x3ab: {  	[hbm4b:s3+s4] =	stream.indirect_vreg.scatter [tilespmem:s24], [sflag:$0x2], $0x80, v4, vm0, $0xb8;
	[tilespmem:$0x18200] =	vst v63  }
0x3ac: {  	s28 =	simm.s32 $0x15980  }
0x3ad: {  	[hbm4b:s3+s4] =	stream.indirect_vreg.scatter [tilespmem:s28], [sflag:$0x2], $0x80, v3, vm0, $0xb8;
	[tilespmem:$0x18200] =	vst v63  }
0x3ae: {  	v3 =	vld [tilespmem:$0xC160];
	_ =	sdelay $0x4  }
0x3af: {  	v62 =	vshll.u32 v3, $0x1  }
0x3b0: {  	v3 =	vand.u32 $0x7, v3;
	v4 =	vand.u32 $0xFFFFFFF0, v62  }
0x3b1: {  	v3 =	vor.u32 v3, v4  }
0x3b2: {  	v4 =	vperm.xlane v3, v0;
	_ =	sdelay $0x1  }
0x3b3: {  	v3 =	vperm.xlane v3, v2;
	v4 =	vadd.s32 v1, v4;
	_ =	sdelay $0x1  }
0x3b4: {  	v3 =	vadd.s32 v1, v3;
	_ =	sdelay $0x1  }
0x3b5: {  	s25 =	simm.s32 $0x16180  }
0x3b6: {  	[hbm4b:s3+s4] =	stream.indirect_vreg.scatter [tilespmem:s25], [sflag:$0x2], $0x80, v4, vm0, $0xb8;
	[tilespmem:$0x18200] =	vst v63  }
0x3b7: {  	s19 =	simm.s32 $0x16980  }
0x3b8: {  	[hbm4b:s3+s4] =	stream.indirect_vreg.scatter [tilespmem:s19], [sflag:$0x2], $0x80, v3, vm0, $0xb8;
	[tilespmem:$0x18200] =	vst v63  }
0x3b9: {  	v3 =	vld [tilespmem:$0xC170];
	_ =	sdelay $0x4  }
0x3ba: {  	v63 =	vshll.u32 v3, $0x1  }
0x3bb: {  	v3 =	vand.u32 $0x7, v3;
	v4 =	vand.u32 $0xFFFFFFF0, v63  }
0x3bc: {  	v3 =	vor.u32 v3, v4  }
0x3bd: {  	v4 =	vperm.xlane v3, v0;
	_ =	sdelay $0x1  }
0x3be: {  	v3 =	vperm.xlane v3, v2;
	v4 =	vadd.s32 v1, v4;
	_ =	sdelay $0x1  }
0x3bf: {  	v3 =	vadd.s32 v1, v3;
	_ =	sdelay $0x2  }
0x3c0: {  	[hbm4b:s3+s4] =	stream.indirect_vreg.scatter [tilespmem:s0], [sflag:$0x2], $0x80, v4, vm0, $0xb8;
	[tilespmem:$0x18200] =	vst v63  }
0x3c1: {  	s8 =	simm.s32 $0x17980  }
0x3c2: {  	[hbm4b:s3+s4] =	stream.indirect_vreg.scatter [tilespmem:s8], [sflag:$0x2], $0x80, v3, vm0, $0xb8;
	[tilespmem:$0x18200] =	vst v63  }
0x3c3: {  	s1 =	simm.s32 $0x18180  }
0x3c4: {  	[hbm4b:s5+s7] =	stream.indirect.scatter [tilespmem:s1], [sflag:$0x2], $0x1, s18, s7, $0xb8;
	[tilespmem:$0x18200] =	vst v63  }
0x3c5: {  	_ =	swait.ge [sflag:s31], $0x4000  }
0x3c6: {  	[sflag:s31] =	ssyncset.done $0x0  }
0x3c7: {  	[sflag:s31] =	ssyncadd.s32 $0xFFFFC000  }
0x3c8: {  	_ =	swait.ge [sflag:s31], $0x8000  }
0x3c9: {  	[sflag:s31] =	ssyncset.done $0x0  }
0x3ca: {  	[sflag:s31] =	ssyncadd.s32 $0xFFFF8000  }
0x3cb: {  	_ =	swait.ge [sflag:s31], $0x80  }
0x3cc: {  	[sflag:s31] =	ssyncset.done $0x0  }
0x3cd: {  	[sflag:s31] =	ssyncadd.s32 $0xFFFFFF80  }
0x3ce: {  	_ =	swait.ge [sflag:s31], $0x4000  }
0x3cf: {  	[sflag:s31] =	ssyncset.done $0x0  }
0x3d0: {  	[sflag:s31] =	ssyncadd.s32 $0xFFFFC000  }
0x3d1: {  	p0 =	sne.s32 s6, $0x1;
	_ =	swait.ge [sflag:s31], $0x8000  }
.Ltmp0:
0x3d2: {  	[sflag:s31] =	ssyncset.done $0x0;
	(pc) =	sbr.rel @p0 .LBB2_1-.Ltmp0, $4  }
0x3d3: {  	[sflag:s31] =	ssyncadd.s32 $0xFFFF8000  }
0x3d4: {  	_ =	swait.ge [sflag:s31], $0x80  }
0x3d5: {  	[sflag:s31] =	ssyncset.done $0x0  }
0x3d6: {  	s6 =	sadd.s32 $0xFFFFFFFF, s6;
	[sflag:s31] =	ssyncadd.s32 $0xFFFFFF80  }
0x3d7: {  	_ =	sfence.sel $0x180000  }
0x3d8: {  	[bflag:$0x0] =	sbarrier.arrive $0xFFFF  }
0x3d9: {  	_ =	strace $0x90000047  }
0x3da: {  	s0 =	stileid.u32;
	[bflag:$0x2] =	sbarrier.arrive $0xFFFF  }
0x3db: {  	p0 =	sne.s32 s0, $0x0;
	s0 =	rddreg [dreg:$0x6]  }
0x3dc: {  	s0 =	sadd.s32 @!p0 $0x100000, s0  }
0x3dd: {  	[sflag:s0] =	ssyncadd.tile.s32 @!p0 $0x1;
	_ =	shalt  }
.Lfunc_end2:
_tile_overlayer_lowered:
.L_overlay_start_2:
0x3de: {  	(tag) =	ssettag $0x2  }
0x3df: {  	s0 =	rddreg [dreg:$0x0];
	s2 =	stileid.u32  }
0x3e0: {  	s1 =	rddreg [dreg:$0x1];
	p0 =	sne.s32 s2, $0x0  }
0x3e1: {  	s3 =	rddreg [dreg:$0x2];
	[bflag:$0x3] =	sbarrier.arrive $0xFFFF;
	s2 =	simm.s32 @!p0 $0x1C03  }
0x3e2: {  	[timem:s3], [sflag:s2] =	dma.local @!p0 [hbm:s0], s1  }
0x3e3: {  	s0 =	simm.s32 @!p0 $0x3  }
0x3e4: {  	_ =	swait.ge @!p0 [sflag:s0], s1  }
0x3e5: {  	s1 =	ssub.s32 @!p0 $0x0, s1;
	[sflag:s0] =	ssyncset.done @!p0 $0x0  }
0x3e6: {  	[sflag:s0] =	ssyncadd.s32 @!p0 s1  }
0x3e7: {  	[bflag:$0x3] =	sbarrier.arrive $0xFFFF  }
0x3e8: {  	_ =	shalt  }

</sc_bundles>
